<compile_context>
chip_gen: v7x
topology: tpu7x:2x2x1
jax: 0.10.2.dev20260603
libtpu: 0.0.44.dev20260713+nightly
codegen_flags: <defaults>
</compile_context>

<pallas_src>
import jax
import jax.numpy as jnp
from jax import lax
from jax.experimental import pallas as pl
from jax.experimental.pallas import tpu as pltpu
from jax.experimental.pallas import tpu_sc as plsc

B = 16384
F = 26
VOCAB = 100000
D = 32

NC = 2
NS = 16
NW = NC * NS
L = 16
NP = F * D
PPT = NP // NW
BH = B // 2
NR = BH // 128
OROWS = B * F * D // 128


def _body(idx_hbm, tab_hbm, out_hbm, idx_v, strip_v, stg_v, row_v, sem):
    wid = lax.axis_index("s") * NC + lax.axis_index("c")
    lane = lax.iota(jnp.int32, L)

    def strip(i, last_f):
        p = wid * PPT + i
        f = p // D
        d = p - f * D
        pltpu.sync_copy(tab_hbm.at[f, d], strip_v)
        base = f * 4096 + (d // 8) * 1024 + (d % 8)

        @pl.when(f != last_f)
        def _():
            pltpu.sync_copy(idx_hbm.at[f], idx_v)

        for h in range(2):
            def row(bc, carry2):
                for j in range(8):
                    raw = idx_v[pl.ds(h * BH + bc * 128 + j * L, L)]
                    v = jnp.clip(raw, 0, VOCAB - 1)
                    stg_v[bc, pl.ds(j * L, L)] = plsc.load_gather(
                        strip_v, [v])
                return carry2
            lax.fori_loop(0, NR, row, 0)

            for g in range(NR // L):
                row_v[pl.ds(g * L, L)] = (
                    base + h * 512 + (g * L + lane) * 8)
            pltpu.async_copy(stg_v, out_hbm.at[row_v], sem).wait()
        return f

    lax.fori_loop(0, PPT, strip, -1)


def kernel(indices, tables):
    idx_t = jnp.swapaxes(indices, 0, 1).astype(jnp.int32)
    tab_t = jnp.swapaxes(tables, 1, 2)
    mesh = plsc.VectorSubcoreMesh(
        core_axis_name="c", subcore_axis_name="s",
        num_cores=NC, num_subcores=NS,
    )
    fn = pl.kernel(
        _body,
        out_type=jax.ShapeDtypeStruct((OROWS, 128), jnp.float32),
        mesh=mesh,
        scratch_types=[
            pltpu.VMEM((B,), jnp.int32),
            pltpu.VMEM((VOCAB,), jnp.float32),
            pltpu.VMEM((NR, 128), jnp.float32),
            pltpu.VMEM((NR,), jnp.int32),
            pltpu.SemaphoreType.DMA,
        ],
        compiler_params=pltpu.CompilerParams(
            use_tc_tiling_on_sc=True, needs_layout_passes=False),
    )
    out2d = fn(idx_t, tab_t)
    out = jnp.transpose(
        out2d.reshape(F, D // 8, B // 128, 8, 128), (2, 4, 0, 1, 3)
    ).reshape(B, F, D)
    return out

# --- scband reference (transcript-rebuilt; emitter-appended) ---
"""Pipeline reference for scband-embedding-layer-3530463117955 (READ-ONLY COPY).

The authoritative reference and input builder live on the scoring server;
editing this copy changes nothing except your own understanding.
"""

import jax, jax.numpy as jnp
import numpy as np

B = 16384
F = 26
VOCAB = 100000
D = 32

def setup_inputs(seed: int = 0) -> dict:
    key = jax.random.key(seed)
    k1, k2 = jax.random.split(key)
    indices = jax.random.randint(k1, (B, F), 0, VOCAB, dtype=jnp.int64 if jax.config.jax_enable_x64 else jnp.int32)
    tables = jax.random.normal(k2, (F, VOCAB, D), dtype=jnp.float32)
    return {"indices": indices, "tables": tables}

def reference(indices, tables):
    # Faithful translation of EmbeddingLayer.forward:
    # for each field k: emb_k(x_dict[k].clamp(0, vocab-1)); then stack on dim=1.
    idx = jnp.clip(indices, 0, VOCAB - 1)            # [B, F]
    field_ids = jnp.arange(F, dtype=idx.dtype)[None, :]  # [1, F]
    out = tables[field_ids, idx]                     # gather -> [B, F, D]
    return out

if __name__ == "__main__":
    import jax
    _d = setup_inputs()
    print(jax.jit(kernel)(*tuple(_d.values())))

</pallas_src>

<mosaic_0001>
#map = affine_map<(d0, d1) -> (0, 0)>
#map1 = affine_map<(d0, d1) -> (0, 0, 0)>
module attributes {stable_mosaic.version = 14 : i64} {
  func.func @_body(%arg0: i32, %arg1: i32, %arg2: memref<26x16384xi32, #tpu.memory_space<hbm>>, %arg3: memref<26x32x100000xf32, #tpu.memory_space<hbm>>, %arg4: memref<106496x128xf32, #tpu.memory_space<hbm>>, %arg5: memref<16384xi32, #tpu.memory_space<vmem>>, %arg6: memref<100000xf32, #tpu.memory_space<vmem>>, %arg7: memref<64x128xf32, #tpu.memory_space<vmem>>, %arg8: memref<64xi32, #tpu.memory_space<vmem>>, %arg9: memref<!tpu.dma_semaphore, #tpu.memory_space<semaphore_mem>>) attributes {dimension_semantics = [#tpu.dimension_semantics<core_parallel>, #tpu.dimension_semantics<subcore_parallel>], iteration_bounds = array<i64: 2, 16>, scalar_prefetch = 0 : i64, scratch_operands = 5 : i64, tpu.core_type = #tpu.core_type<sc_vector_subcore>, window_params = [{transform_indices = #map}, {transform_indices = #map1}, {transform_indices = #map}]} {
    %mul3A = arith.constant 2 : i32
    %mul3A_0 = arith.muli %arg1, %mul3A : i32
    %add3A = arith.addi %mul3A_0, %arg0 : i32
    %iota3A = tpu.iota {dimensions = array<i32: 0>} : vector<16xi32>
    %scan3A = arith.constant -1 : i32
    %scan3A_1 = arith.constant 0 : i32
    %scan3A_2 = arith.constant 26 : i32
    %scan3A_3 = arith.addi %scan3A_1, %scan3A_2 : i32
    %scan3A_4 = arith.constant 1 : i32
    %scan3A_5 = scf.for %scan3A_7 = %scan3A_1 to %scan3A_3 step %scan3A_4 iter_args(%scan3A_8 = %scan3A) -> (i32)  : i32 {
      %mul3A_9 = arith.constant 26 : i32
      %mul3A_10 = arith.muli %add3A, %mul3A_9 : i32
      %add3A_11 = arith.addi %mul3A_10, %scan3A_7 : i32
      %jit3A = arith.constant 32 : i32
      %div3A = arith.divsi %add3A_11, %jit3A : i32
      %sign3A = arith.constant 0 : i32
      %sign3A_12 = arith.cmpi sgt, %add3A_11, %sign3A : i32
      %sign3A_13 = arith.extui %sign3A_12 : i1 to i32
      %sign3A_14 = arith.constant 0 : i32
      %sign3A_15 = arith.cmpi slt, %add3A_11, %sign3A_14 : i32
      %sign3A_16 = arith.extui %sign3A_15 : i1 to i32
      %sign3A_17 = arith.subi %sign3A_13, %sign3A_16 : i32
      %sign3A_18 = arith.constant 0 : i32
      %sign3A_19 = arith.cmpi sgt, %jit3A, %sign3A_18 : i32
      %sign3A_20 = arith.extui %sign3A_19 : i1 to i32
      %sign3A_21 = arith.constant 0 : i32
      %sign3A_22 = arith.cmpi slt, %jit3A, %sign3A_21 : i32
      %sign3A_23 = arith.extui %sign3A_22 : i1 to i32
      %sign3A_24 = arith.subi %sign3A_20, %sign3A_23 : i32
      %ne3A = arith.cmpi ne, %sign3A_17, %sign3A_24 : i32
      %rem3A = arith.remsi %add3A_11, %jit3A : i32
      %ne3A_25 = arith.constant 0 : i32
      %ne3A_26 = arith.cmpi ne, %rem3A, %ne3A_25 : i32
      %and3A = arith.andi %ne3A, %ne3A_26 : i1
      %sub3A = arith.constant 1 : i32
      %sub3A_27 = arith.subi %div3A, %sub3A : i32
      %select_n3A = arith.select %and3A, %sub3A_27, %div3A : i32
      %mul3A_28 = arith.constant 32 : i32
      %mul3A_29 = arith.muli %select_n3A, %mul3A_28 : i32
      %sub3A_30 = arith.subi %add3A_11, %mul3A_29 : i32
      "tpu.region"() ({
        %run_scoped3A = tpu.sem_alloc : memref<!tpu.dma_semaphore, #tpu.memory_space<semaphore_mem>>
        %dma_start3A_194 = arith.constant 0 : i32
        %dma_start3A_195 = tpu.memref_slice %arg3[%select_n3A, %sub3A_30, %dma_start3A_194] : memref<26x32x100000xf32, #tpu.memory_space<hbm>> -> memref<1x1x100000xf32, #tpu.memory_space<hbm>>
        %dma_start3A_196 = tpu.memref_squeeze %dma_start3A_195 : memref<1x1x100000xf32, #tpu.memory_space<hbm>> -> memref<100000xf32, #tpu.memory_space<hbm>>
        %dma_start3A_197 = arith.constant 0 : i32
        %dma_start3A_198 = tpu.memref_slice %arg3[%select_n3A, %sub3A_30, %dma_start3A_197] : memref<26x32x100000xf32, #tpu.memory_space<hbm>> -> memref<1x1x100000xf32, #tpu.memory_space<hbm>>
        %dma_start3A_199 = tpu.memref_squeeze %dma_start3A_198 : memref<1x1x100000xf32, #tpu.memory_space<hbm>> -> memref<100000xf32, #tpu.memory_space<hbm>>
        tpu.enqueue_dma source(%dma_start3A_199 : memref<100000xf32, #tpu.memory_space<hbm>>) target(%arg6 : memref<100000xf32, #tpu.memory_space<vmem>>) target_semaphore(%run_scoped3A : memref<!tpu.dma_semaphore, #tpu.memory_space<semaphore_mem>>)
        %dma_wait3A_200 = arith.constant 0 : i32
        %dma_wait3A_201 = tpu.memref_slice %arg3[%select_n3A, %sub3A_30, %dma_wait3A_200] : memref<26x32x100000xf32, #tpu.memory_space<hbm>> -> memref<1x1x100000xf32, #tpu.memory_space<hbm>>
        %dma_wait3A_202 = tpu.memref_squeeze %dma_wait3A_201 : memref<1x1x100000xf32, #tpu.memory_space<hbm>> -> memref<100000xf32, #tpu.memory_space<hbm>>
        %dma_wait3A_203 = arith.constant 0 : i32
        %dma_wait3A_204 = tpu.memref_slice %arg3[%select_n3A, %sub3A_30, %dma_wait3A_203] : memref<26x32x100000xf32, #tpu.memory_space<hbm>> -> memref<1x1x100000xf32, #tpu.memory_space<hbm>>
        %dma_wait3A_205 = tpu.memref_squeeze %dma_wait3A_204 : memref<1x1x100000xf32, #tpu.memory_space<hbm>> -> memref<100000xf32, #tpu.memory_space<hbm>>
        tpu.wait_dma2 semaphore(%run_scoped3A : memref<!tpu.dma_semaphore, #tpu.memory_space<semaphore_mem>>) src(%dma_wait3A_205 : memref<100000xf32, #tpu.memory_space<hbm>>) dst(%arg6 : memref<100000xf32, #tpu.memory_space<vmem>>)
        tpu.yield
      }) : () -> ()
      %mul3A_31 = arith.constant 4096 : i32
      %mul3A_32 = arith.muli %select_n3A, %mul3A_31 : i32
      %jit3A_33 = arith.constant 8 : i32
      %div3A_34 = arith.divsi %sub3A_30, %jit3A_33 : i32
      %sign3A_35 = arith.constant 0 : i32
      %sign3A_36 = arith.cmpi sgt, %sub3A_30, %sign3A_35 : i32
      %sign3A_37 = arith.extui %sign3A_36 : i1 to i32
      %sign3A_38 = arith.constant 0 : i32
      %sign3A_39 = arith.cmpi slt, %sub3A_30, %sign3A_38 : i32
      %sign3A_40 = arith.extui %sign3A_39 : i1 to i32
      %sign3A_41 = arith.subi %sign3A_37, %sign3A_40 : i32
      %sign3A_42 = arith.constant 0 : i32
      %sign3A_43 = arith.cmpi sgt, %jit3A_33, %sign3A_42 : i32
      %sign3A_44 = arith.extui %sign3A_43 : i1 to i32
      %sign3A_45 = arith.constant 0 : i32
      %sign3A_46 = arith.cmpi slt, %jit3A_33, %sign3A_45 : i32
      %sign3A_47 = arith.extui %sign3A_46 : i1 to i32
      %sign3A_48 = arith.subi %sign3A_44, %sign3A_47 : i32
      %ne3A_49 = arith.cmpi ne, %sign3A_41, %sign3A_48 : i32
      %rem3A_50 = arith.remsi %sub3A_30, %jit3A_33 : i32
      %ne3A_51 = arith.constant 0 : i32
      %ne3A_52 = arith.cmpi ne, %rem3A_50, %ne3A_51 : i32
      %and3A_53 = arith.andi %ne3A_49, %ne3A_52 : i1
      %sub3A_54 = arith.constant 1 : i32
      %sub3A_55 = arith.subi %div3A_34, %sub3A_54 : i32
      %select_n3A_56 = arith.select %and3A_53, %sub3A_55, %div3A_34 : i32
      %mul3A_57 = arith.constant 1024 : i32
      %mul3A_58 = arith.muli %select_n3A_56, %mul3A_57 : i32
      %add3A_59 = arith.addi %mul3A_32, %mul3A_58 : i32
      %jit3A_60 = arith.constant 8 : i32
      %eq3A = arith.constant 0 : i32
      %eq3A_61 = arith.cmpi eq, %jit3A_60, %eq3A : i32
      %jit3A_62 = arith.constant 1 : i32
      %select_n3A_63 = arith.select %eq3A_61, %jit3A_62, %jit3A_60 : i32
      %rem3A_64 = arith.remsi %sub3A_30, %select_n3A_63 : i32
      %ne3A_65 = arith.constant 0 : i32
      %ne3A_66 = arith.cmpi ne, %rem3A_64, %ne3A_65 : i32
      %lt3A = arith.constant 0 : i32
      %lt3A_67 = arith.cmpi slt, %rem3A_64, %lt3A : i32
      %lt3A_68 = arith.constant 0 : i32
      %lt3A_69 = arith.cmpi slt, %select_n3A_63, %lt3A_68 : i32
      %ne3A_70 = arith.xori %lt3A_67, %lt3A_69 : i1
      %and3A_71 = arith.andi %ne3A_70, %ne3A_66 : i1
      %add3A_72 = arith.addi %rem3A_64, %select_n3A_63 : i32
      %select_n3A_73 = arith.select %and3A_71, %add3A_72, %rem3A_64 : i32
      %add3A_74 = arith.addi %add3A_59, %select_n3A_73 : i32
      %ne3A_75 = arith.cmpi ne, %select_n3A, %scan3A_8 : i32
      %convert_element_type3A = arith.extui %ne3A_75 : i1 to i32
      %cond3A = arith.constant 0 : i32
      %cond3A_76 = arith.cmpi ne, %convert_element_type3A, %cond3A : i32
      scf.if %cond3A_76 {
        "tpu.region"() ({
          %run_scoped3A = tpu.sem_alloc : memref<!tpu.dma_semaphore, #tpu.memory_space<semaphore_mem>>
          %dma_start3A_194 = arith.constant 0 : i32
          %dma_start3A_195 = tpu.memref_slice %arg2[%select_n3A, %dma_start3A_194] : memref<26x16384xi32, #tpu.memory_space<hbm>> -> memref<1x16384xi32, #tpu.memory_space<hbm>>
          %dma_start3A_196 = tpu.memref_squeeze %dma_start3A_195 : memref<1x16384xi32, #tpu.memory_space<hbm>> -> memref<16384xi32, #tpu.memory_space<hbm>>
          %dma_start3A_197 = arith.constant 0 : i32
          %dma_start3A_198 = tpu.memref_slice %arg2[%select_n3A, %dma_start3A_197] : memref<26x16384xi32, #tpu.memory_space<hbm>> -> memref<1x16384xi32, #tpu.memory_space<hbm>>
          %dma_start3A_199 = tpu.memref_squeeze %dma_start3A_198 : memref<1x16384xi32, #tpu.memory_space<hbm>> -> memref<16384xi32, #tpu.memory_space<hbm>>
          tpu.enqueue_dma source(%dma_start3A_199 : memref<16384xi32, #tpu.memory_space<hbm>>) target(%arg5 : memref<16384xi32, #tpu.memory_space<vmem>>) target_semaphore(%run_scoped3A : memref<!tpu.dma_semaphore, #tpu.memory_space<semaphore_mem>>)
          %dma_wait3A_200 = arith.constant 0 : i32
          %dma_wait3A_201 = tpu.memref_slice %arg2[%select_n3A, %dma_wait3A_200] : memref<26x16384xi32, #tpu.memory_space<hbm>> -> memref<1x16384xi32, #tpu.memory_space<hbm>>
          %dma_wait3A_202 = tpu.memref_squeeze %dma_wait3A_201 : memref<1x16384xi32, #tpu.memory_space<hbm>> -> memref<16384xi32, #tpu.memory_space<hbm>>
          %dma_wait3A_203 = arith.constant 0 : i32
          %dma_wait3A_204 = tpu.memref_slice %arg2[%select_n3A, %dma_wait3A_203] : memref<26x16384xi32, #tpu.memory_space<hbm>> -> memref<1x16384xi32, #tpu.memory_space<hbm>>
          %dma_wait3A_205 = tpu.memref_squeeze %dma_wait3A_204 : memref<1x16384xi32, #tpu.memory_space<hbm>> -> memref<16384xi32, #tpu.memory_space<hbm>>
          tpu.wait_dma2 semaphore(%run_scoped3A : memref<!tpu.dma_semaphore, #tpu.memory_space<semaphore_mem>>) src(%dma_wait3A_205 : memref<16384xi32, #tpu.memory_space<hbm>>) dst(%arg5 : memref<16384xi32, #tpu.memory_space<vmem>>)
          tpu.yield
        }) : () -> ()
      } else {
      }
      %scan3A_77 = arith.constant 0 : i32
      %scan3A_78 = arith.constant 0 : i32
      %scan3A_79 = arith.constant 64 : i32
      %scan3A_80 = arith.addi %scan3A_78, %scan3A_79 : i32
      %scan3A_81 = arith.constant 1 : i32
      scf.for %scan3A_194 = %scan3A_78 to %scan3A_80 step %scan3A_81  : i32 {
        %mul3A_195 = arith.constant 128 : i32
        %mul3A_196 = arith.muli %scan3A_194, %mul3A_195 : i32
        %add3A_197 = arith.constant 0 : i32
        %add3A_198 = arith.addi %add3A_197, %mul3A_196 : i32
        %add3A_199 = arith.constant 0 : i32
        %add3A_200 = arith.addi %add3A_198, %add3A_199 : i32
        %get3A = arith.index_cast %add3A_200 : i32 to index
        %get3A_201 = tpu.vector_load %arg5[%get3A] {strides = array<i32>} : memref<16384xi32, #tpu.memory_space<vmem>>, vector<16xi32>,
        %jit3A_202 = arith.constant 0 : i32
        %jit3A_203 = arith.constant 99999 : i32
        %max3A = vector.broadcast %jit3A_202 : i32 to vector<16xi32>
        %max3A_204 = arith.maxsi %max3A, %get3A_201 : vector<16xi32>
        %min3A = vector.broadcast %jit3A_203 : i32 to vector<16xi32>
        %min3A_205 = arith.minsi %min3A, %max3A_204 : vector<16xi32>
        %gather3A = tpu.vector_load_idx %arg6[%min3A_205] : memref<100000xf32, #tpu.memory_space<vmem>>[vector<16xi32>], vector<16xf32>,
        %swap3A_206 = arith.index_cast %scan3A_194 : i32 to index
        %swap3A_207 = arith.constant 0 : index
        %swap3A_208 = tpu.vector_load %arg7[%swap3A_206, %swap3A_207] {strides = array<i32>} : memref<64x128xf32, #tpu.memory_space<vmem>>, vector<16xf32>,
        tpu.vector_store %arg7[%swap3A_206, %swap3A_207], %gather3A {strides = array<i32>} : memref<64x128xf32, #tpu.memory_space<vmem>>, vector<16xf32>,
        %mul3A_209 = arith.constant 128 : i32
        %mul3A_210 = arith.muli %scan3A_194, %mul3A_209 : i32
        %add3A_211 = arith.constant 0 : i32
        %add3A_212 = arith.addi %add3A_211, %mul3A_210 : i32
        %add3A_213 = arith.constant 16 : i32
        %add3A_214 = arith.addi %add3A_212, %add3A_213 : i32
        %get3A_215 = arith.index_cast %add3A_214 : i32 to index
        %get3A_216 = tpu.vector_load %arg5[%get3A_215] {strides = array<i32>} : memref<16384xi32, #tpu.memory_space<vmem>>, vector<16xi32>,
        %jit3A_217 = arith.constant 0 : i32
        %jit3A_218 = arith.constant 99999 : i32
        %max3A_219 = vector.broadcast %jit3A_217 : i32 to vector<16xi32>
        %max3A_220 = arith.maxsi %max3A_219, %get3A_216 : vector<16xi32>
        %min3A_221 = vector.broadcast %jit3A_218 : i32 to vector<16xi32>
        %min3A_222 = arith.minsi %min3A_221, %max3A_220 : vector<16xi32>
        %gather3A_223 = tpu.vector_load_idx %arg6[%min3A_222] : memref<100000xf32, #tpu.memory_space<vmem>>[vector<16xi32>], vector<16xf32>,
        %swap3A_224 = arith.index_cast %scan3A_194 : i32 to index
        %swap3A_225 = arith.constant 16 : index
        %swap3A_226 = tpu.vector_load %arg7[%swap3A_224, %swap3A_225] {strides = array<i32>} : memref<64x128xf32, #tpu.memory_space<vmem>>, vector<16xf32>,
        tpu.vector_store %arg7[%swap3A_224, %swap3A_225], %gather3A_223 {strides = array<i32>} : memref<64x128xf32, #tpu.memory_space<vmem>>, vector<16xf32>,
        %mul3A_227 = arith.constant 128 : i32
        %mul3A_228 = arith.muli %scan3A_194, %mul3A_227 : i32
        %add3A_229 = arith.constant 0 : i32
        %add3A_230 = arith.addi %add3A_229, %mul3A_228 : i32
        %add3A_231 = arith.constant 32 : i32
        %add3A_232 = arith.addi %add3A_230, %add3A_231 : i32
        %get3A_233 = arith.index_cast %add3A_232 : i32 to index
        %get3A_234 = tpu.vector_load %arg5[%get3A_233] {strides = array<i32>} : memref<16384xi32, #tpu.memory_space<vmem>>, vector<16xi32>,
        %jit3A_235 = arith.constant 0 : i32
        %jit3A_236 = arith.constant 99999 : i32
        %max3A_237 = vector.broadcast %jit3A_235 : i32 to vector<16xi32>
        %max3A_238 = arith.maxsi %max3A_237, %get3A_234 : vector<16xi32>
        %min3A_239 = vector.broadcast %jit3A_236 : i32 to vector<16xi32>
        %min3A_240 = arith.minsi %min3A_239, %max3A_238 : vector<16xi32>
        %gather3A_241 = tpu.vector_load_idx %arg6[%min3A_240] : memref<100000xf32, #tpu.memory_space<vmem>>[vector<16xi32>], vector<16xf32>,
        %swap3A_242 = arith.index_cast %scan3A_194 : i32 to index
        %swap3A_243 = arith.constant 32 : index
        %swap3A_244 = tpu.vector_load %arg7[%swap3A_242, %swap3A_243] {strides = array<i32>} : memref<64x128xf32, #tpu.memory_space<vmem>>, vector<16xf32>,
        tpu.vector_store %arg7[%swap3A_242, %swap3A_243], %gather3A_241 {strides = array<i32>} : memref<64x128xf32, #tpu.memory_space<vmem>>, vector<16xf32>,
        %mul3A_245 = arith.constant 128 : i32
        %mul3A_246 = arith.muli %scan3A_194, %mul3A_245 : i32
        %add3A_247 = arith.constant 0 : i32
        %add3A_248 = arith.addi %add3A_247, %mul3A_246 : i32
        %add3A_249 = arith.constant 48 : i32
        %add3A_250 = arith.addi %add3A_248, %add3A_249 : i32
        %get3A_251 = arith.index_cast %add3A_250 : i32 to index
        %get3A_252 = tpu.vector_load %arg5[%get3A_251] {strides = array<i32>} : memref<16384xi32, #tpu.memory_space<vmem>>, vector<16xi32>,
        %jit3A_253 = arith.constant 0 : i32
        %jit3A_254 = arith.constant 99999 : i32
        %max3A_255 = vector.broadcast %jit3A_253 : i32 to vector<16xi32>
        %max3A_256 = arith.maxsi %max3A_255, %get3A_252 : vector<16xi32>
        %min3A_257 = vector.broadcast %jit3A_254 : i32 to vector<16xi32>
        %min3A_258 = arith.minsi %min3A_257, %max3A_256 : vector<16xi32>
        %gather3A_259 = tpu.vector_load_idx %arg6[%min3A_258] : memref<100000xf32, #tpu.memory_space<vmem>>[vector<16xi32>], vector<16xf32>,
        %swap3A_260 = arith.index_cast %scan3A_194 : i32 to index
        %swap3A_261 = arith.constant 48 : index
        %swap3A_262 = tpu.vector_load %arg7[%swap3A_260, %swap3A_261] {strides = array<i32>} : memref<64x128xf32, #tpu.memory_space<vmem>>, vector<16xf32>,
        tpu.vector_store %arg7[%swap3A_260, %swap3A_261], %gather3A_259 {strides = array<i32>} : memref<64x128xf32, #tpu.memory_space<vmem>>, vector<16xf32>,
        %mul3A_263 = arith.constant 128 : i32
        %mul3A_264 = arith.muli %scan3A_194, %mul3A_263 : i32
        %add3A_265 = arith.constant 0 : i32
        %add3A_266 = arith.addi %add3A_265, %mul3A_264 : i32
        %add3A_267 = arith.constant 64 : i32
        %add3A_268 = arith.addi %add3A_266, %add3A_267 : i32
        %get3A_269 = arith.index_cast %add3A_268 : i32 to index
        %get3A_270 = tpu.vector_load %arg5[%get3A_269] {strides = array<i32>} : memref<16384xi32, #tpu.memory_space<vmem>>, vector<16xi32>,
        %jit3A_271 = arith.constant 0 : i32
        %jit3A_272 = arith.constant 99999 : i32
        %max3A_273 = vector.broadcast %jit3A_271 : i32 to vector<16xi32>
        %max3A_274 = arith.maxsi %max3A_273, %get3A_270 : vector<16xi32>
        %min3A_275 = vector.broadcast %jit3A_272 : i32 to vector<16xi32>
        %min3A_276 = arith.minsi %min3A_275, %max3A_274 : vector<16xi32>
        %gather3A_277 = tpu.vector_load_idx %arg6[%min3A_276] : memref<100000xf32, #tpu.memory_space<vmem>>[vector<16xi32>], vector<16xf32>,
        %swap3A_278 = arith.index_cast %scan3A_194 : i32 to index
        %swap3A_279 = arith.constant 64 : index
        %swap3A_280 = tpu.vector_load %arg7[%swap3A_278, %swap3A_279] {strides = array<i32>} : memref<64x128xf32, #tpu.memory_space<vmem>>, vector<16xf32>,
        tpu.vector_store %arg7[%swap3A_278, %swap3A_279], %gather3A_277 {strides = array<i32>} : memref<64x128xf32, #tpu.memory_space<vmem>>, vector<16xf32>,
        %mul3A_281 = arith.constant 128 : i32
        %mul3A_282 = arith.muli %scan3A_194, %mul3A_281 : i32
        %add3A_283 = arith.constant 0 : i32
        %add3A_284 = arith.addi %add3A_283, %mul3A_282 : i32
        %add3A_285 = arith.constant 80 : i32
        %add3A_286 = arith.addi %add3A_284, %add3A_285 : i32
        %get3A_287 = arith.index_cast %add3A_286 : i32 to index
        %get3A_288 = tpu.vector_load %arg5[%get3A_287] {strides = array<i32>} : memref<16384xi32, #tpu.memory_space<vmem>>, vector<16xi32>,
        %jit3A_289 = arith.constant 0 : i32
        %jit3A_290 = arith.constant 99999 : i32
        %max3A_291 = vector.broadcast %jit3A_289 : i32 to vector<16xi32>
        %max3A_292 = arith.maxsi %max3A_291, %get3A_288 : vector<16xi32>
        %min3A_293 = vector.broadcast %jit3A_290 : i32 to vector<16xi32>
        %min3A_294 = arith.minsi %min3A_293, %max3A_292 : vector<16xi32>
        %gather3A_295 = tpu.vector_load_idx %arg6[%min3A_294] : memref<100000xf32, #tpu.memory_space<vmem>>[vector<16xi32>], vector<16xf32>,
        %swap3A_296 = arith.index_cast %scan3A_194 : i32 to index
        %swap3A_297 = arith.constant 80 : index
        %swap3A_298 = tpu.vector_load %arg7[%swap3A_296, %swap3A_297] {strides = array<i32>} : memref<64x128xf32, #tpu.memory_space<vmem>>, vector<16xf32>,
        tpu.vector_store %arg7[%swap3A_296, %swap3A_297], %gather3A_295 {strides = array<i32>} : memref<64x128xf32, #tpu.memory_space<vmem>>, vector<16xf32>,
        %mul3A_299 = arith.constant 128 : i32
        %mul3A_300 = arith.muli %scan3A_194, %mul3A_299 : i32
        %add3A_301 = arith.constant 0 : i32
        %add3A_302 = arith.addi %add3A_301, %mul3A_300 : i32
        %add3A_303 = arith.constant 96 : i32
        %add3A_304 = arith.addi %add3A_302, %add3A_303 : i32
        %get3A_305 = arith.index_cast %add3A_304 : i32 to index
        %get3A_306 = tpu.vector_load %arg5[%get3A_305] {strides = array<i32>} : memref<16384xi32, #tpu.memory_space<vmem>>, vector<16xi32>,
        %jit3A_307 = arith.constant 0 : i32
        %jit3A_308 = arith.constant 99999 : i32
        %max3A_309 = vector.broadcast %jit3A_307 : i32 to vector<16xi32>
        %max3A_310 = arith.maxsi %max3A_309, %get3A_306 : vector<16xi32>
        %min3A_311 = vector.broadcast %jit3A_308 : i32 to vector<16xi32>
        %min3A_312 = arith.minsi %min3A_311, %max3A_310 : vector<16xi32>
        %gather3A_313 = tpu.vector_load_idx %arg6[%min3A_312] : memref<100000xf32, #tpu.memory_space<vmem>>[vector<16xi32>], vector<16xf32>,
        %swap3A_314 = arith.index_cast %scan3A_194 : i32 to index
        %swap3A_315 = arith.constant 96 : index
        %swap3A_316 = tpu.vector_load %arg7[%swap3A_314, %swap3A_315] {strides = array<i32>} : memref<64x128xf32, #tpu.memory_space<vmem>>, vector<16xf32>,
        tpu.vector_store %arg7[%swap3A_314, %swap3A_315], %gather3A_313 {strides = array<i32>} : memref<64x128xf32, #tpu.memory_space<vmem>>, vector<16xf32>,
        %mul3A_317 = arith.constant 128 : i32
        %mul3A_318 = arith.muli %scan3A_194, %mul3A_317 : i32
        %add3A_319 = arith.constant 0 : i32
        %add3A_320 = arith.addi %add3A_319, %mul3A_318 : i32
        %add3A_321 = arith.constant 112 : i32
        %add3A_322 = arith.addi %add3A_320, %add3A_321 : i32
        %get3A_323 = arith.index_cast %add3A_322 : i32 to index
        %get3A_324 = tpu.vector_load %arg5[%get3A_323] {strides = array<i32>} : memref<16384xi32, #tpu.memory_space<vmem>>, vector<16xi32>,
        %jit3A_325 = arith.constant 0 : i32
        %jit3A_326 = arith.constant 99999 : i32
        %max3A_327 = vector.broadcast %jit3A_325 : i32 to vector<16xi32>
        %max3A_328 = arith.maxsi %max3A_327, %get3A_324 : vector<16xi32>
        %min3A_329 = vector.broadcast %jit3A_326 : i32 to vector<16xi32>
        %min3A_330 = arith.minsi %min3A_329, %max3A_328 : vector<16xi32>
        %gather3A_331 = tpu.vector_load_idx %arg6[%min3A_330] : memref<100000xf32, #tpu.memory_space<vmem>>[vector<16xi32>], vector<16xf32>,
        %swap3A_332 = arith.index_cast %scan3A_194 : i32 to index
        %swap3A_333 = arith.constant 112 : index
        %swap3A_334 = tpu.vector_load %arg7[%swap3A_332, %swap3A_333] {strides = array<i32>} : memref<64x128xf32, #tpu.memory_space<vmem>>, vector<16xf32>,
        tpu.vector_store %arg7[%swap3A_332, %swap3A_333], %gather3A_331 {strides = array<i32>} : memref<64x128xf32, #tpu.memory_space<vmem>>, vector<16xf32>,
      }
      %scan3A_82 = arith.constant 64 : i32
      %add3A_83 = arith.constant 0 : i32
      %add3A_84 = arith.addi %add3A_74, %add3A_83 : i32
      %add3A_85 = arith.constant 0 : i32
      %add3A_86 = vector.broadcast %add3A_85 : i32 to vector<16xi32>
      %add3A_87 = arith.addi %add3A_86, %iota3A : vector<16xi32>
      %mul3A_88 = arith.constant 8 : i32
      %mul3A_89 = vector.broadcast %mul3A_88 : i32 to vector<16xi32>
      %mul3A_90 = arith.muli %add3A_87, %mul3A_89 : vector<16xi32>
      %add3A_91 = vector.broadcast %add3A_84 : i32 to vector<16xi32>
      %add3A_92 = arith.addi %add3A_91, %mul3A_90 : vector<16xi32>
      %swap3A = arith.constant 0 : index
      %swap3A_93 = tpu.vector_load %arg8[%swap3A] {strides = array<i32>} : memref<64xi32, #tpu.memory_space<vmem>>, vector<16xi32>,
      tpu.vector_store %arg8[%swap3A], %add3A_92 {strides = array<i32>} : memref<64xi32, #tpu.memory_space<vmem>>, vector<16xi32>,
      %add3A_94 = arith.constant 0 : i32
      %add3A_95 = arith.addi %add3A_74, %add3A_94 : i32
      %add3A_96 = arith.constant 16 : i32
      %add3A_97 = vector.broadcast %add3A_96 : i32 to vector<16xi32>
      %add3A_98 = arith.addi %add3A_97, %iota3A : vector<16xi32>
      %mul3A_99 = arith.constant 8 : i32
      %mul3A_100 = vector.broadcast %mul3A_99 : i32 to vector<16xi32>
      %mul3A_101 = arith.muli %add3A_98, %mul3A_100 : vector<16xi32>
      %add3A_102 = vector.broadcast %add3A_95 : i32 to vector<16xi32>
      %add3A_103 = arith.addi %add3A_102, %mul3A_101 : vector<16xi32>
      %swap3A_104 = arith.constant 16 : index
      %swap3A_105 = tpu.vector_load %arg8[%swap3A_104] {strides = array<i32>} : memref<64xi32, #tpu.memory_space<vmem>>, vector<16xi32>,
      tpu.vector_store %arg8[%swap3A_104], %add3A_103 {strides = array<i32>} : memref<64xi32, #tpu.memory_space<vmem>>, vector<16xi32>,
      %add3A_106 = arith.constant 0 : i32
      %add3A_107 = arith.addi %add3A_74, %add3A_106 : i32
      %add3A_108 = arith.constant 32 : i32
      %add3A_109 = vector.broadcast %add3A_108 : i32 to vector<16xi32>
      %add3A_110 = arith.addi %add3A_109, %iota3A : vector<16xi32>
      %mul3A_111 = arith.constant 8 : i32
      %mul3A_112 = vector.broadcast %mul3A_111 : i32 to vector<16xi32>
      %mul3A_113 = arith.muli %add3A_110, %mul3A_112 : vector<16xi32>
      %add3A_114 = vector.broadcast %add3A_107 : i32 to vector<16xi32>
      %add3A_115 = arith.addi %add3A_114, %mul3A_113 : vector<16xi32>
      %swap3A_116 = arith.constant 32 : index
      %swap3A_117 = tpu.vector_load %arg8[%swap3A_116] {strides = array<i32>} : memref<64xi32, #tpu.memory_space<vmem>>, vector<16xi32>,
      tpu.vector_store %arg8[%swap3A_116], %add3A_115 {strides = array<i32>} : memref<64xi32, #tpu.memory_space<vmem>>, vector<16xi32>,
      %add3A_118 = arith.constant 0 : i32
      %add3A_119 = arith.addi %add3A_74, %add3A_118 : i32
      %add3A_120 = arith.constant 48 : i32
      %add3A_121 = vector.broadcast %add3A_120 : i32 to vector<16xi32>
      %add3A_122 = arith.addi %add3A_121, %iota3A : vector<16xi32>
      %mul3A_123 = arith.constant 8 : i32
      %mul3A_124 = vector.broadcast %mul3A_123 : i32 to vector<16xi32>
      %mul3A_125 = arith.muli %add3A_122, %mul3A_124 : vector<16xi32>
      %add3A_126 = vector.broadcast %add3A_119 : i32 to vector<16xi32>
      %add3A_127 = arith.addi %add3A_126, %mul3A_125 : vector<16xi32>
      %swap3A_128 = arith.constant 48 : index
      %swap3A_129 = tpu.vector_load %arg8[%swap3A_128] {strides = array<i32>} : memref<64xi32, #tpu.memory_space<vmem>>, vector<16xi32>,
      tpu.vector_store %arg8[%swap3A_128], %add3A_127 {strides = array<i32>} : memref<64xi32, #tpu.memory_space<vmem>>, vector<16xi32>,
      %dma_start3A = arith.constant 0 : i32
      %dma_start3A_130 = arith.constant 0 : i32
      %dma_start3A_131 = tpu.memref_slice %arg4[%dma_start3A, %dma_start3A_130] : memref<106496x128xf32, #tpu.memory_space<hbm>> -> memref<106496x128xf32, #tpu.memory_space<hbm>>
      tpu.enqueue_indirect_dma source(%arg7 : memref<64x128xf32, #tpu.memory_space<vmem>>) target(%dma_start3A_131 : memref<106496x128xf32, #tpu.memory_space<hbm>>) offsets(%arg8 : memref<64xi32, #tpu.memory_space<vmem>>) semaphore(%arg9 : memref<!tpu.dma_semaphore, #tpu.memory_space<semaphore_mem>>)
      %dma_wait3A = arith.constant 0 : i32
      %dma_wait3A_132 = arith.constant 0 : i32
      %dma_wait3A_133 = tpu.memref_slice %arg4[%dma_wait3A, %dma_wait3A_132] : memref<106496x128xf32, #tpu.memory_space<hbm>> -> memref<106496x128xf32, #tpu.memory_space<hbm>>
      tpu.wait_indirect_dma semaphore(%arg9 : memref<!tpu.dma_semaphore, #tpu.memory_space<semaphore_mem>>) src(%arg7 : memref<64x128xf32, #tpu.memory_space<vmem>>) dst(%dma_wait3A_133 : memref<106496x128xf32, #tpu.memory_space<hbm>>)
      %scan3A_134 = arith.constant 0 : i32
      %scan3A_135 = arith.constant 0 : i32
      %scan3A_136 = arith.constant 64 : i32
      %scan3A_137 = arith.addi %scan3A_135, %scan3A_136 : i32
      %scan3A_138 = arith.constant 1 : i32
      scf.for %scan3A_194 = %scan3A_135 to %scan3A_137 step %scan3A_138  : i32 {
        %mul3A_195 = arith.constant 128 : i32
        %mul3A_196 = arith.muli %scan3A_194, %mul3A_195 : i32
        %add3A_197 = arith.constant 8192 : i32
        %add3A_198 = arith.addi %add3A_197, %mul3A_196 : i32
        %add3A_199 = arith.constant 0 : i32
        %add3A_200 = arith.addi %add3A_198, %add3A_199 : i32
        %get3A = arith.index_cast %add3A_200 : i32 to index
        %get3A_201 = tpu.vector_load %arg5[%get3A] {strides = array<i32>} : memref<16384xi32, #tpu.memory_space<vmem>>, vector<16xi32>,
        %jit3A_202 = arith.constant 0 : i32
        %jit3A_203 = arith.constant 99999 : i32
        %max3A = vector.broadcast %jit3A_202 : i32 to vector<16xi32>
        %max3A_204 = arith.maxsi %max3A, %get3A_201 : vector<16xi32>
        %min3A = vector.broadcast %jit3A_203 : i32 to vector<16xi32>
        %min3A_205 = arith.minsi %min3A, %max3A_204 : vector<16xi32>
        %gather3A = tpu.vector_load_idx %arg6[%min3A_205] : memref<100000xf32, #tpu.memory_space<vmem>>[vector<16xi32>], vector<16xf32>,
        %swap3A_206 = arith.index_cast %scan3A_194 : i32 to index
        %swap3A_207 = arith.constant 0 : index
        %swap3A_208 = tpu.vector_load %arg7[%swap3A_206, %swap3A_207] {strides = array<i32>} : memref<64x128xf32, #tpu.memory_space<vmem>>, vector<16xf32>,
        tpu.vector_store %arg7[%swap3A_206, %swap3A_207], %gather3A {strides = array<i32>} : memref<64x128xf32, #tpu.memory_space<vmem>>, vector<16xf32>,
        %mul3A_209 = arith.constant 128 : i32
        %mul3A_210 = arith.muli %scan3A_194, %mul3A_209 : i32
        %add3A_211 = arith.constant 8192 : i32
        %add3A_212 = arith.addi %add3A_211, %mul3A_210 : i32
        %add3A_213 = arith.constant 16 : i32
        %add3A_214 = arith.addi %add3A_212, %add3A_213 : i32
        %get3A_215 = arith.index_cast %add3A_214 : i32 to index
        %get3A_216 = tpu.vector_load %arg5[%get3A_215] {strides = array<i32>} : memref<16384xi32, #tpu.memory_space<vmem>>, vector<16xi32>,
        %jit3A_217 = arith.constant 0 : i32
        %jit3A_218 = arith.constant 99999 : i32
        %max3A_219 = vector.broadcast %jit3A_217 : i32 to vector<16xi32>
        %max3A_220 = arith.maxsi %max3A_219, %get3A_216 : vector<16xi32>
        %min3A_221 = vector.broadcast %jit3A_218 : i32 to vector<16xi32>
        %min3A_222 = arith.minsi %min3A_221, %max3A_220 : vector<16xi32>
        %gather3A_223 = tpu.vector_load_idx %arg6[%min3A_222] : memref<100000xf32, #tpu.memory_space<vmem>>[vector<16xi32>], vector<16xf32>,
        %swap3A_224 = arith.index_cast %scan3A_194 : i32 to index
        %swap3A_225 = arith.constant 16 : index
        %swap3A_226 = tpu.vector_load %arg7[%swap3A_224, %swap3A_225] {strides = array<i32>} : memref<64x128xf32, #tpu.memory_space<vmem>>, vector<16xf32>,
        tpu.vector_store %arg7[%swap3A_224, %swap3A_225], %gather3A_223 {strides = array<i32>} : memref<64x128xf32, #tpu.memory_space<vmem>>, vector<16xf32>,
        %mul3A_227 = arith.constant 128 : i32
        %mul3A_228 = arith.muli %scan3A_194, %mul3A_227 : i32
        %add3A_229 = arith.constant 8192 : i32
        %add3A_230 = arith.addi %add3A_229, %mul3A_228 : i32
        %add3A_231 = arith.constant 32 : i32
        %add3A_232 = arith.addi %add3A_230, %add3A_231 : i32
        %get3A_233 = arith.index_cast %add3A_232 : i32 to index
        %get3A_234 = tpu.vector_load %arg5[%get3A_233] {strides = array<i32>} : memref<16384xi32, #tpu.memory_space<vmem>>, vector<16xi32>,
        %jit3A_235 = arith.constant 0 : i32
        %jit3A_236 = arith.constant 99999 : i32
        %max3A_237 = vector.broadcast %jit3A_235 : i32 to vector<16xi32>
        %max3A_238 = arith.maxsi %max3A_237, %get3A_234 : vector<16xi32>
        %min3A_239 = vector.broadcast %jit3A_236 : i32 to vector<16xi32>
        %min3A_240 = arith.minsi %min3A_239, %max3A_238 : vector<16xi32>
        %gather3A_241 = tpu.vector_load_idx %arg6[%min3A_240] : memref<100000xf32, #tpu.memory_space<vmem>>[vector<16xi32>], vector<16xf32>,
        %swap3A_242 = arith.index_cast %scan3A_194 : i32 to index
        %swap3A_243 = arith.constant 32 : index
        %swap3A_244 = tpu.vector_load %arg7[%swap3A_242, %swap3A_243] {strides = array<i32>} : memref<64x128xf32, #tpu.memory_space<vmem>>, vector<16xf32>,
        tpu.vector_store %arg7[%swap3A_242, %swap3A_243], %gather3A_241 {strides = array<i32>} : memref<64x128xf32, #tpu.memory_space<vmem>>, vector<16xf32>,
        %mul3A_245 = arith.constant 128 : i32
        %mul3A_246 = arith.muli %scan3A_194, %mul3A_245 : i32
        %add3A_247 = arith.constant 8192 : i32
        %add3A_248 = arith.addi %add3A_247, %mul3A_246 : i32
        %add3A_249 = arith.constant 48 : i32
        %add3A_250 = arith.addi %add3A_248, %add3A_249 : i32
        %get3A_251 = arith.index_cast %add3A_250 : i32 to index
        %get3A_252 = tpu.vector_load %arg5[%get3A_251] {strides = array<i32>} : memref<16384xi32, #tpu.memory_space<vmem>>, vector<16xi32>,
        %jit3A_253 = arith.constant 0 : i32
        %jit3A_254 = arith.constant 99999 : i32
        %max3A_255 = vector.broadcast %jit3A_253 : i32 to vector<16xi32>
        %max3A_256 = arith.maxsi %max3A_255, %get3A_252 : vector<16xi32>
        %min3A_257 = vector.broadcast %jit3A_254 : i32 to vector<16xi32>
        %min3A_258 = arith.minsi %min3A_257, %max3A_256 : vector<16xi32>
        %gather3A_259 = tpu.vector_load_idx %arg6[%min3A_258] : memref<100000xf32, #tpu.memory_space<vmem>>[vector<16xi32>], vector<16xf32>,
        %swap3A_260 = arith.index_cast %scan3A_194 : i32 to index
        %swap3A_261 = arith.constant 48 : index
        %swap3A_262 = tpu.vector_load %arg7[%swap3A_260, %swap3A_261] {strides = array<i32>} : memref<64x128xf32, #tpu.memory_space<vmem>>, vector<16xf32>,
        tpu.vector_store %arg7[%swap3A_260, %swap3A_261], %gather3A_259 {strides = array<i32>} : memref<64x128xf32, #tpu.memory_space<vmem>>, vector<16xf32>,
        %mul3A_263 = arith.constant 128 : i32
        %mul3A_264 = arith.muli %scan3A_194, %mul3A_263 : i32
        %add3A_265 = arith.constant 8192 : i32
        %add3A_266 = arith.addi %add3A_265, %mul3A_264 : i32
        %add3A_267 = arith.constant 64 : i32
        %add3A_268 = arith.addi %add3A_266, %add3A_267 : i32
        %get3A_269 = arith.index_cast %add3A_268 : i32 to index
        %get3A_270 = tpu.vector_load %arg5[%get3A_269] {strides = array<i32>} : memref<16384xi32, #tpu.memory_space<vmem>>, vector<16xi32>,
        %jit3A_271 = arith.constant 0 : i32
        %jit3A_272 = arith.constant 99999 : i32
        %max3A_273 = vector.broadcast %jit3A_271 : i32 to vector<16xi32>
        %max3A_274 = arith.maxsi %max3A_273, %get3A_270 : vector<16xi32>
        %min3A_275 = vector.broadcast %jit3A_272 : i32 to vector<16xi32>
        %min3A_276 = arith.minsi %min3A_275, %max3A_274 : vector<16xi32>
        %gather3A_277 = tpu.vector_load_idx %arg6[%min3A_276] : memref<100000xf32, #tpu.memory_space<vmem>>[vector<16xi32>], vector<16xf32>,
        %swap3A_278 = arith.index_cast %scan3A_194 : i32 to index
        %swap3A_279 = arith.constant 64 : index
        %swap3A_280 = tpu.vector_load %arg7[%swap3A_278, %swap3A_279] {strides = array<i32>} : memref<64x128xf32, #tpu.memory_space<vmem>>, vector<16xf32>,
        tpu.vector_store %arg7[%swap3A_278, %swap3A_279], %gather3A_277 {strides = array<i32>} : memref<64x128xf32, #tpu.memory_space<vmem>>, vector<16xf32>,
        %mul3A_281 = arith.constant 128 : i32
        %mul3A_282 = arith.muli %scan3A_194, %mul3A_281 : i32
        %add3A_283 = arith.constant 8192 : i32
        %add3A_284 = arith.addi %add3A_283, %mul3A_282 : i32
        %add3A_285 = arith.constant 80 : i32
        %add3A_286 = arith.addi %add3A_284, %add3A_285 : i32
        %get3A_287 = arith.index_cast %add3A_286 : i32 to index
        %get3A_288 = tpu.vector_load %arg5[%get3A_287] {strides = array<i32>} : memref<16384xi32, #tpu.memory_space<vmem>>, vector<16xi32>,
        %jit3A_289 = arith.constant 0 : i32
        %jit3A_290 = arith.constant 99999 : i32
        %max3A_291 = vector.broadcast %jit3A_289 : i32 to vector<16xi32>
        %max3A_292 = arith.maxsi %max3A_291, %get3A_288 : vector<16xi32>
        %min3A_293 = vector.broadcast %jit3A_290 : i32 to vector<16xi32>
        %min3A_294 = arith.minsi %min3A_293, %max3A_292 : vector<16xi32>
        %gather3A_295 = tpu.vector_load_idx %arg6[%min3A_294] : memref<100000xf32, #tpu.memory_space<vmem>>[vector<16xi32>], vector<16xf32>,
        %swap3A_296 = arith.index_cast %scan3A_194 : i32 to index
        %swap3A_297 = arith.constant 80 : index
        %swap3A_298 = tpu.vector_load %arg7[%swap3A_296, %swap3A_297] {strides = array<i32>} : memref<64x128xf32, #tpu.memory_space<vmem>>, vector<16xf32>,
        tpu.vector_store %arg7[%swap3A_296, %swap3A_297], %gather3A_295 {strides = array<i32>} : memref<64x128xf32, #tpu.memory_space<vmem>>, vector<16xf32>,
        %mul3A_299 = arith.constant 128 : i32
        %mul3A_300 = arith.muli %scan3A_194, %mul3A_299 : i32
        %add3A_301 = arith.constant 8192 : i32
        %add3A_302 = arith.addi %add3A_301, %mul3A_300 : i32
        %add3A_303 = arith.constant 96 : i32
        %add3A_304 = arith.addi %add3A_302, %add3A_303 : i32
        %get3A_305 = arith.index_cast %add3A_304 : i32 to index
        %get3A_306 = tpu.vector_load %arg5[%get3A_305] {strides = array<i32>} : memref<16384xi32, #tpu.memory_space<vmem>>, vector<16xi32>,
        %jit3A_307 = arith.constant 0 : i32
        %jit3A_308 = arith.constant 99999 : i32
        %max3A_309 = vector.broadcast %jit3A_307 : i32 to vector<16xi32>
        %max3A_310 = arith.maxsi %max3A_309, %get3A_306 : vector<16xi32>
        %min3A_311 = vector.broadcast %jit3A_308 : i32 to vector<16xi32>
        %min3A_312 = arith.minsi %min3A_311, %max3A_310 : vector<16xi32>
        %gather3A_313 = tpu.vector_load_idx %arg6[%min3A_312] : memref<100000xf32, #tpu.memory_space<vmem>>[vector<16xi32>], vector<16xf32>,
        %swap3A_314 = arith.index_cast %scan3A_194 : i32 to index
        %swap3A_315 = arith.constant 96 : index
        %swap3A_316 = tpu.vector_load %arg7[%swap3A_314, %swap3A_315] {strides = array<i32>} : memref<64x128xf32, #tpu.memory_space<vmem>>, vector<16xf32>,
        tpu.vector_store %arg7[%swap3A_314, %swap3A_315], %gather3A_313 {strides = array<i32>} : memref<64x128xf32, #tpu.memory_space<vmem>>, vector<16xf32>,
        %mul3A_317 = arith.constant 128 : i32
        %mul3A_318 = arith.muli %scan3A_194, %mul3A_317 : i32
        %add3A_319 = arith.constant 8192 : i32
        %add3A_320 = arith.addi %add3A_319, %mul3A_318 : i32
        %add3A_321 = arith.constant 112 : i32
        %add3A_322 = arith.addi %add3A_320, %add3A_321 : i32
        %get3A_323 = arith.index_cast %add3A_322 : i32 to index
        %get3A_324 = tpu.vector_load %arg5[%get3A_323] {strides = array<i32>} : memref<16384xi32, #tpu.memory_space<vmem>>, vector<16xi32>,
        %jit3A_325 = arith.constant 0 : i32
        %jit3A_326 = arith.constant 99999 : i32
        %max3A_327 = vector.broadcast %jit3A_325 : i32 to vector<16xi32>
        %max3A_328 = arith.maxsi %max3A_327, %get3A_324 : vector<16xi32>
        %min3A_329 = vector.broadcast %jit3A_326 : i32 to vector<16xi32>
        %min3A_330 = arith.minsi %min3A_329, %max3A_328 : vector<16xi32>
        %gather3A_331 = tpu.vector_load_idx %arg6[%min3A_330] : memref<100000xf32, #tpu.memory_space<vmem>>[vector<16xi32>], vector<16xf32>,
        %swap3A_332 = arith.index_cast %scan3A_194 : i32 to index
        %swap3A_333 = arith.constant 112 : index
        %swap3A_334 = tpu.vector_load %arg7[%swap3A_332, %swap3A_333] {strides = array<i32>} : memref<64x128xf32, #tpu.memory_space<vmem>>, vector<16xf32>,
        tpu.vector_store %arg7[%swap3A_332, %swap3A_333], %gather3A_331 {strides = array<i32>} : memref<64x128xf32, #tpu.memory_space<vmem>>, vector<16xf32>,
      }
      %scan3A_139 = arith.constant 64 : i32
      %add3A_140 = arith.constant 512 : i32
      %add3A_141 = arith.addi %add3A_74, %add3A_140 : i32
      %add3A_142 = arith.constant 0 : i32
      %add3A_143 = vector.broadcast %add3A_142 : i32 to vector<16xi32>
      %add3A_144 = arith.addi %add3A_143, %iota3A : vector<16xi32>
      %mul3A_145 = arith.constant 8 : i32
      %mul3A_146 = vector.broadcast %mul3A_145 : i32 to vector<16xi32>
      %mul3A_147 = arith.muli %add3A_144, %mul3A_146 : vector<16xi32>
      %add3A_148 = vector.broadcast %add3A_141 : i32 to vector<16xi32>
      %add3A_149 = arith.addi %add3A_148, %mul3A_147 : vector<16xi32>
      %swap3A_150 = arith.constant 0 : index
      %swap3A_151 = tpu.vector_load %arg8[%swap3A_150] {strides = array<i32>} : memref<64xi32, #tpu.memory_space<vmem>>, vector<16xi32>,
      tpu.vector_store %arg8[%swap3A_150], %add3A_149 {strides = array<i32>} : memref<64xi32, #tpu.memory_space<vmem>>, vector<16xi32>,
      %add3A_152 = arith.constant 512 : i32
      %add3A_153 = arith.addi %add3A_74, %add3A_152 : i32
      %add3A_154 = arith.constant 16 : i32
      %add3A_155 = vector.broadcast %add3A_154 : i32 to vector<16xi32>
      %add3A_156 = arith.addi %add3A_155, %iota3A : vector<16xi32>
      %mul3A_157 = arith.constant 8 : i32
      %mul3A_158 = vector.broadcast %mul3A_157 : i32 to vector<16xi32>
      %mul3A_159 = arith.muli %add3A_156, %mul3A_158 : vector<16xi32>
      %add3A_160 = vector.broadcast %add3A_153 : i32 to vector<16xi32>
      %add3A_161 = arith.addi %add3A_160, %mul3A_159 : vector<16xi32>
      %swap3A_162 = arith.constant 16 : index
      %swap3A_163 = tpu.vector_load %arg8[%swap3A_162] {strides = array<i32>} : memref<64xi32, #tpu.memory_space<vmem>>, vector<16xi32>,
      tpu.vector_store %arg8[%swap3A_162], %add3A_161 {strides = array<i32>} : memref<64xi32, #tpu.memory_space<vmem>>, vector<16xi32>,
      %add3A_164 = arith.constant 512 : i32
      %add3A_165 = arith.addi %add3A_74, %add3A_164 : i32
      %add3A_166 = arith.constant 32 : i32
      %add3A_167 = vector.broadcast %add3A_166 : i32 to vector<16xi32>
      %add3A_168 = arith.addi %add3A_167, %iota3A : vector<16xi32>
      %mul3A_169 = arith.constant 8 : i32
      %mul3A_170 = vector.broadcast %mul3A_169 : i32 to vector<16xi32>
      %mul3A_171 = arith.muli %add3A_168, %mul3A_170 : vector<16xi32>
      %add3A_172 = vector.broadcast %add3A_165 : i32 to vector<16xi32>
      %add3A_173 = arith.addi %add3A_172, %mul3A_171 : vector<16xi32>
      %swap3A_174 = arith.constant 32 : index
      %swap3A_175 = tpu.vector_load %arg8[%swap3A_174] {strides = array<i32>} : memref<64xi32, #tpu.memory_space<vmem>>, vector<16xi32>,
      tpu.vector_store %arg8[%swap3A_174], %add3A_173 {strides = array<i32>} : memref<64xi32, #tpu.memory_space<vmem>>, vector<16xi32>,
      %add3A_176 = arith.constant 512 : i32
      %add3A_177 = arith.addi %add3A_74, %add3A_176 : i32
      %add3A_178 = arith.constant 48 : i32
      %add3A_179 = vector.broadcast %add3A_178 : i32 to vector<16xi32>
      %add3A_180 = arith.addi %add3A_179, %iota3A : vector<16xi32>
      %mul3A_181 = arith.constant 8 : i32
      %mul3A_182 = vector.broadcast %mul3A_181 : i32 to vector<16xi32>
      %mul3A_183 = arith.muli %add3A_180, %mul3A_182 : vector<16xi32>
      %add3A_184 = vector.broadcast %add3A_177 : i32 to vector<16xi32>
      %add3A_185 = arith.addi %add3A_184, %mul3A_183 : vector<16xi32>
      %swap3A_186 = arith.constant 48 : index
      %swap3A_187 = tpu.vector_load %arg8[%swap3A_186] {strides = array<i32>} : memref<64xi32, #tpu.memory_space<vmem>>, vector<16xi32>,
      tpu.vector_store %arg8[%swap3A_186], %add3A_185 {strides = array<i32>} : memref<64xi32, #tpu.memory_space<vmem>>, vector<16xi32>,
      %dma_start3A_188 = arith.constant 0 : i32
      %dma_start3A_189 = arith.constant 0 : i32
      %dma_start3A_190 = tpu.memref_slice %arg4[%dma_start3A_188, %dma_start3A_189] : memref<106496x128xf32, #tpu.memory_space<hbm>> -> memref<106496x128xf32, #tpu.memory_space<hbm>>
      tpu.enqueue_indirect_dma source(%arg7 : memref<64x128xf32, #tpu.memory_space<vmem>>) target(%dma_start3A_190 : memref<106496x128xf32, #tpu.memory_space<hbm>>) offsets(%arg8 : memref<64xi32, #tpu.memory_space<vmem>>) semaphore(%arg9 : memref<!tpu.dma_semaphore, #tpu.memory_space<semaphore_mem>>)
      %dma_wait3A_191 = arith.constant 0 : i32
      %dma_wait3A_192 = arith.constant 0 : i32
      %dma_wait3A_193 = tpu.memref_slice %arg4[%dma_wait3A_191, %dma_wait3A_192] : memref<106496x128xf32, #tpu.memory_space<hbm>> -> memref<106496x128xf32, #tpu.memory_space<hbm>>
      tpu.wait_indirect_dma semaphore(%arg9 : memref<!tpu.dma_semaphore, #tpu.memory_space<semaphore_mem>>) src(%arg7 : memref<64x128xf32, #tpu.memory_space<vmem>>) dst(%dma_wait3A_193 : memref<106496x128xf32, #tpu.memory_space<hbm>>)
      scf.yield %select_n3A : i32
    }
    %scan3A_6 = arith.constant 26 : i32
    return
  }
}

</mosaic_0001>

<sc_bundles>
// kernel: kernel.3.cloned.1.call-start
scs
__scs_entry_jumppad:
0x0: {  	(pc) =	sbr.rel $0x88, $3  }
0x1: {  	(tag) =	ssettag $0x0;
	lr =	simm.s32 $0x1  }
0x2: {  	[smem:$0x3F9F] =	sst lr;
	_ =	strace $0xD0000000  }
0x3: {  	_ = 	snop  }
0x4: {  	_ = 	snop  }
0x5: {  	_ = 	snop  }
0x6: {  	_ = 	snop  }
0x7: {  	_ = 	snop  }
__scs_overlays_trampoline_lowered:
0x8: {  	[smem:$0x3FAE] =	sst s0  }
0x9: {  	[smem:$0x3FAF] =	sst s1  }
0xa: {  	[smem:$0x3FB0] =	sst s2  }
0xb: {  	[smem:$0x3FB1] =	sst s3  }
0xc: {  	[smem:$0x3FB2] =	sst s4  }
0xd: {  	[smem:$0x3FB3] =	sst s5  }
0xe: {  	[smem:$0x3FB4] =	sst s6  }
0xf: {  	[smem:$0x3FB5] =	sst s7  }
0x10: {  	[smem:$0x3FB6] =	sst s8  }
0x11: {  	[smem:$0x3FB7] =	sst s9;
	s0 =	simm.s32 @!p0 $0x0  }
0x12: {  	s1 =	sld [smem:$0x3F9D];
	s0 =	simm.s32 @p0 $0x1  }
0x13: {  	[smem:$0x3FB8] =	sst s0;
	s0 =	simm.s32 @!p1 $0x0  }
0x14: {  	s2 =	sld [smem:$0x3F9C];
	s0 =	simm.s32 @p1 $0x1  }
0x15: {  	[smem:$0x3FB9] =	sst s0;
	s0 =	simm.s32 @!p2 $0x0  }
0x16: {  	s3 =	sld [smem:$0x3FDB];
	s0 =	simm.s32 @p2 $0x1  }
0x17: {  	s4 =	simm.s32 $0x1BF5;
	[smem:$0x3FBB] =	sst s0  }
0x18: {  	s0 =	sld [smem:$0x3F9E];
	_ =	swait.ge [sflag:s4], $0x0  }
0x19: {  	s7 =	sld [smem:$0x3F9F]  }
0x1a: {  	s8 =	sadd.s32 $0xFFFFE003, lr  }
0x1b: {  	s9 =	sadd.s32 $0xFFFFFEF7, lr;
	s5 =	simm.s32 $0xFFFFFFFF;
	p2 =	slt.u32 s8, $0xFFFFF086  }
0x1c: {  	p1 =	slt.u32 s9, $0xF7A;
	s5 =	simm.s32 @!p2 $0x0  }
0x1d: {  	s5 =	simm.s32 @p1 $0x1;
	p0 =	seq.s32 s7, s2  }
0x1e: {  	s7 =	smul.u32 @!p0 $0xF7A, s2;
	p2 =	seq.s32 @!p0 s5, $0x0  }
0x1f: {  	s9 =	smul.u32 $0xF7A, s1;
	s8 =	simm.s32 @!p0 $0x1BF5;
	p2 =	por !p2, p0  }
0x20: {  	[sflag:s8] =	ssyncset.s32 @!p0 $0xFFFFF086;
	s6 =	sadd.s32 @!p0 s3, s7;
	s7 =	simm.s32 @!p0 $0x108  }
0x21: {  	s3 =	sadd.s32 s3, s9;
	s6 =	sadd.s32 @!p0 $0x88, s6;
	s7 =	simm.s32 @p2 $0x1082  }
0x22: {  	[simem:s7], [sflag:s8] =	dma.local @!p0 [hbm:s6], $0xF7A  }
0x23: {  	s9 =	sor.u32 $0xD0000000, s2;
	s6 =	simm.s32 $0x108;
	_ =	swait.ge @!p0 [sflag:s8], $0x0  }
0x24: {  	s3 =	sadd.s32 $0x88, s3;
	s6 =	simm.s32 @!p1 $0x1082;
	[sflag:s4] =	ssyncset.s32 $0xFFFFF086  }
0x25: {  	[simem:s6], [sflag:s4] =	dma.local [hbm:s3], $0xF7A  }
0x26: {  	[smem:$0x3F9F] =	sst s1;
	(tag) =	ssettag s2;
	_ =	strace s9  }
0x27: {  	s1 =	sld [smem:$0x3FAF]  }
0x28: {  	s2 =	sld [smem:$0x3FB0]  }
0x29: {  	s4 =	sld [smem:$0x3FB2]  }
0x2a: {  	p0 =	seq.s32 s5, $0x0;
	s5 =	sld [smem:$0x3FB3]  }
0x2b: {  	s6 =	sld [smem:$0x3FB4]  }
0x2c: {  	s7 =	sld [smem:$0x3FB5]  }
0x2d: {  	s3 =	simm.s32 $0x108;
	s8 =	sld [smem:$0x3FB6]  }
0x2e: {  	s3 =	simm.s32 @!p0 $0x1082;
	s9 =	sld [smem:$0x3FB7]  }
0x2f: {  	lr =	sadd.s32 s0, s3;
	s0 =	sld [smem:$0x3FAE]  }
0x30: {  	s3 =	sld [smem:$0x3FB1]  }
0x31: {  	[smem:$0x3FBA] =	sst s10  }
0x32: {  	s10 =	sld [smem:$0x3FB8];
	_ =	sdelay $0x3  }
0x33: {  	p0 =	seq.s32 s10, $0x1;
	s10 =	sld [smem:$0x3FBA];
	_ =	sdelay $0x3  }
0x34: {  	[smem:$0x3FBA] =	sst s10  }
0x35: {  	s10 =	sld [smem:$0x3FB9];
	_ =	sdelay $0x3  }
0x36: {  	p1 =	seq.s32 s10, $0x1;
	s10 =	sld [smem:$0x3FBA];
	_ =	sdelay $0x3  }
0x37: {  	[smem:$0x3FBA] =	sst s10  }
0x38: {  	s10 =	sld [smem:$0x3FBB]  }
0x39: {  	_ = 	snop;
	(pc) =	sbr.ind lr, $3  }
0x3a: {  	_ = 	snop  }
0x3b: {  	_ = 	snop  }
0x3c: {  	p2 =	seq.s32 s10, $0x1;
	s10 =	sld [smem:$0x3FBA]  }
0x3d: {  	_ =	shalt  }
0x3e: {  	_ =	shalt  }
0x3f: {  	_ =	shalt  }
0x40: {  	_ =	shalt  }
0x41: {  	_ =	shalt  }
0x42: {  	_ =	shalt  }
0x43: {  	_ =	shalt  }
0x44: {  	_ =	shalt  }
0x45: {  	_ =	shalt  }
0x46: {  	_ =	shalt  }
0x47: {  	_ =	shalt  }
0x48: {  	_ =	shalt  }
0x49: {  	_ =	shalt  }
0x4a: {  	_ =	shalt  }
0x4b: {  	_ =	shalt  }
0x4c: {  	_ =	shalt  }
0x4d: {  	_ =	shalt  }
0x4e: {  	_ =	shalt  }
0x4f: {  	_ =	shalt  }
0x50: {  	_ =	shalt  }
0x51: {  	_ =	shalt  }
0x52: {  	_ =	shalt  }
0x53: {  	_ =	shalt  }
0x54: {  	_ =	shalt  }
0x55: {  	_ =	shalt  }
0x56: {  	_ =	shalt  }
0x57: {  	_ =	shalt  }
0x58: {  	_ =	shalt  }
0x59: {  	_ =	shalt  }
0x5a: {  	_ =	shalt  }
0x5b: {  	_ =	shalt  }
0x5c: {  	_ =	shalt  }
0x5d: {  	_ =	shalt  }
0x5e: {  	_ =	shalt  }
0x5f: {  	_ =	shalt  }
0x60: {  	_ =	shalt  }
0x61: {  	_ =	shalt  }
0x62: {  	_ =	shalt  }
0x63: {  	_ =	shalt  }
0x64: {  	_ =	shalt  }
0x65: {  	_ =	shalt  }
0x66: {  	_ =	shalt  }
0x67: {  	_ =	shalt  }
0x68: {  	_ =	shalt  }
0x69: {  	_ =	shalt  }
0x6a: {  	_ =	shalt  }
0x6b: {  	_ =	shalt  }
0x6c: {  	_ =	shalt  }
0x6d: {  	_ =	shalt  }
0x6e: {  	_ =	shalt  }
0x6f: {  	_ =	shalt  }
0x70: {  	_ =	shalt  }
0x71: {  	_ =	shalt  }
0x72: {  	_ =	shalt  }
0x73: {  	_ =	shalt  }
0x74: {  	_ =	shalt  }
0x75: {  	_ =	shalt  }
0x76: {  	_ =	shalt  }
0x77: {  	_ =	shalt  }
0x78: {  	_ =	shalt  }
0x79: {  	_ =	shalt  }
0x7a: {  	_ =	shalt  }
0x7b: {  	_ =	shalt  }
0x7c: {  	_ =	shalt  }
0x7d: {  	_ =	shalt  }
0x7e: {  	_ =	shalt  }
0x7f: {  	_ =	shalt  }
0x80: {  	_ =	shalt  }
0x81: {  	_ =	shalt  }
0x82: {  	_ =	shalt  }
0x83: {  	_ =	shalt  }
0x84: {  	_ =	shalt  }
0x85: {  	_ =	shalt  }
0x86: {  	_ =	shalt  }
0x87: {  	_ =	shalt  }
.Lfunc_end0:
.L_simem_size_0:
called_computation_lowered:
.L_overlay_start_0:
0x88: {  	s2 =	sld [smem:$0x3FD9]  }
0x89: {  	s3 =	sld [smem:$0x3FFE];
	_ =	sdelay $0x1  }
0x8a: {  	s1 =	srdreg.scid  }
0x8b: {  	s0 =	sand.u32 $0x1, s1  }
0x8c: {  	s18 =	sshll.u32 s0, $0xA;
	s2 =	sadd.s32 s3, s2  }
0x8d: {  	s2 =	sadd.s32 s2, s18  }
0x8e: {  	[smem:$0x3FC6] =	sst s2  }
0x8f: {  	_ = 	snop  }
0x90: {  	s2 =	sld [smem:$0x3FC9]  }
0x91: {  	s19 =	sld [smem:$0x3FC8]  }
0x92: {  	s4 =	sld [smem:$0x3FD0];
	(tm) =	ssettm $0x1  }
0x93: {  	s5 =	sld [smem:$0x3FFB];
	_ =	sdelay $0x3  }
0x94: {  	_ =	strace s5  }
0x95: {  	s5 =	sld [smem:$0x3FFC];
	_ =	sdelay $0x3  }
0x96: {  	_ =	strace s5  }
0x97: {  	s5 =	sld [smem:$0x3FFD];
	_ =	sdelay $0x3  }
0x98: {  	_ =	strace s5  }
0x99: {  	_ =	strace $0x8FFFFFFF  }
0x9a: {  	s20 =	sld [smem:$0x3FDB];
	_ =	sdelay $0x1  }
0x9b: {  	s6 =	simm.s32 $_scs_section_size  }
0x9c: {  	s7 =	simm.s32 $_size__tile_overlayer_lowered;
	s8 =	simm.s32 $_tile_overlayer_lowered  }
0x9d: {  	s23 =	simm.s32 $0x1BFF;
	s22 =	sshll.u32 s8, $0x1;
	s5 =	sadd.s32 s6, s20  }
0x9e: {  	s9 =	simm.s32 $0x0;
	s21 =	sshll.u32 s7, $0x1;
	s7 =	sadd.s32 s22, s5  }
0x9f: {  	[timem:s9], [sflag:s23] =	dma.local [hbm:s7], s21  }
0xa0: {  	_ =	swait.ge [sflag:s23], s21  }
0xa1: {  	s6 =	ssub.s32 $0x0, s21;
	[sflag:s23] =	ssyncset.done $0x0  }
0xa2: {  	[sflag:s23] =	ssyncadd.s32 s6;
	_ =	sdelay $0x1  }
0xa3: {  	s24 =	simm.s32 $0x1B8B  }
0xa4: {  	_ =	swait.ge [sflag:s24], $0x1  }
0xa5: {  	[sflag:s24] =	ssyncset.done $0x0  }
0xa6: {  	s25 =	simm.s32 $0x1B8E;
	[sflag:s24] =	ssyncadd.s32 $0xFFFFFFFF  }
0xa7: {  	s26 =	simm.s32 $execute0_lowered;
	[smem:$0x3FD2] =	sst s25  }
0xa8: {  	s6 =	sshll.u32 s26, $0x1;
	_ =	strace $0x80000046;
	[dreg:$0x1] =	wrdreg $0xFFFFFFFF  }
0xa9: {  	s28 =	simm.s32 $_size_execute0_lowered;
	s5 =	sadd.s32 s5, s6;
	[dreg:$0x0] =	wrdreg $0x0  }
0xaa: {  	s6 =	sshll.u32 s28, $0x1;
	[dreg:$0x2] =	wrdreg s5  }
0xab: {  	[dreg:$0x3] =	wrdreg s6  }
0xac: {  	[dreg:$0x4] =	wrdreg $0xC0  }
0xad: {  	_ =	task [dreg:s9], $0x5FFFF  }
0xae: {  	[dreg:$0x1] =	wrdreg $0xFFFFFFFF  }
0xaf: {  	[dreg:$0x0] =	wrdreg $0x60  }
0xb0: {  	[dreg:$0x2] =	wrdreg s2  }
0xb1: {  	[dreg:$0x3] =	wrdreg s19  }
0xb2: {  	[dreg:$0x4] =	wrdreg s4  }
0xb3: {  	[dreg:$0x5] =	wrdreg $0x9  }
0xb4: {  	_ =	task.clear_ibuf [dreg:s9], $0x6FFFF;
	_ =	strace $0x90000046  }
0xb5: {  	s29 =	simm.s32 $0x9;
	_ =	strace $0x80000048  }
0xb6: {  	_ =	swait.ge [sflag:s29], $0x1  }
0xb7: {  	[sflag:s29] =	ssyncadd.s32 $0xFFFFFFFF  }
0xb8: {  	_ =	strace $0x90000048  }
0xb9: {  	_ =	sfence  }
0xba: {  	s30 =	sld [smem:$0x0];
	_ =	sdelay $0x2  }
0xbb: {  	s31 =	sshll.u32 s1, $0xD;
	s1 =	sshrl.u32 s1, $0x2  }
0xbc: {  	s3 =	sand.u32 $0x4000, s31;
	s1 =	sadd.s32 s1, s30  }
0xbd: {  	s0 =	sor.u32 s3, s0;
	s1 =	sshll.u32 s1, $0x11  }
0xbe: {  	s0 =	sor.u32 s1, s0  }
0xbf: {  	s0 =	sadd.s32 $0x8F2B, s0  }
0xc0: {  	[sflag:s0] =	ssyncadd.remote.s32 $0x1  }
0xc1: {  	_ =	sfence.sel $0xFFFF  }
0xc2: {  	[dreg:$0x0] =	wrdreg $0xFFFFFFFF;
	(pc) =	sbr.abs _section_cstart, $3  }
0xc3: {  	[dreg:$0x1] =	wrdreg $0xFFFFFFFF  }
0xc4: {  	_ =	task.clear_ibuf [dreg:s9], $0x2FFFF;
	_ =	strace $0x9FFFFFFF  }
0xc5: {  	(tm) =	ssettm $0x7FFFFFFF  }
tec
execute0_lowered:
.L_overlay_start_1:
0x0: {  	(tag) =	ssettag $0x1  }
0x1: {  	s1 =	rddreg [dreg:$0x0]  }
0x2: {  	s3 =	rddreg [dreg:$0x1]  }
0x3: {  	s4 =	rddreg [dreg:$0x2];
	s5 =	srdreg.scid  }
0x4: {  	s0 =	rddreg [dreg:$0x3];
	s2 =	stileid.u32;
	s10 =	simm.s32 $0x4000  }
0x5: {  	s11 =	simm.s32 $0x2;
	s12 =	simm.s32 $0x40;
	s13 =	simm.s32 $0x1E700  }
0x6: {  	s14 =	simm.s32 $0x1C700;
	s15 =	simm.s32 $0x1;
	s6 =	sand.u32 $0x1, s5  }
0x7: {  	v0 =	vlaneseq.u32;
	s5 =	simm.s32 $0x0;
	s8 =	sshll.u32 s2, $0x1;
	s7 =	ssub.s32 $0x2, s6  }
0x8: {  	v0 =	vmul.u32 $0x8, v0;
	[smem:$0x7FF] =	sst s5;
	s6 =	sor.u32 s6, s8;
	s9 =	sshrl.u32 s7, $0x1  }
0x9: {  	s8 =	simm.s32 $0x80;
	_ =	strace $0x80000047;
	s7 =	ssub.s32 s7, s9  }
0xa: {  	s6 =	smul.u32 $0x1A, s6;
	v1 =	vor.u32 $0x80, v0;
	v2 =	vor.u32 $0x100, v0;
	v3 =	vor.u32 $0x180, v0;
	s9 =	simm.s32 $0x400;
	s7 =	smax.u32 s7, $0x1  }
.LBB2_1:
0xb: {  	s17 =	simm.s32 $0xFFFFFFFF;
	s16 =	simm.s32 $0x0  }
.LBB2_2:
0xc: {  	s18 =	sadd.s32 s6, s16  }
0xd: {  	s19 =	smov.u32 s17;
	s17 =	sshrl.u32 s18, $0x5;
	s20 =	sand.u32 $0x18, s18  }
0xe: {  	s21 =	smul.u32 $0x30E000, s17;
	s20 =	sshrl.u32 s20, $0x3  }
0xf: {  	s22 =	smul.u32 $0xC3800, s20  }
0x10: {  	s29 =	sshll.u32 s18, $0x7  }
0x11: {  	s30 =	sand.u32 $0x380, s29;
	s21 =	sadd.s32 s21, s22  }
0x12: {  	p0 =	seq.s32 s17, s19;
	s21 =	sor.u32 s30, s21  }
0x13: {  	s19 =	sshll.u32 @!p0 s17, $0x4;
	s21 =	sshrl.u32 s21, $0x3  }
0x14: {  	s23 =	simm.s32 @!p0 $0x0;
	s19 =	sand.u32 @!p0 $0x70, s19;
	s21 =	sadd.s32 s3, s21  }
0x15: {  	[tilespmem:s10], [sflag:$0x2] =	stream.strided.gather [hbm4b:s21+s8], $0x18700, s9, s8, $0x38;
	[tilespmem:$0x1E780] =	vst v63  }
0x16: {  	s19 =	sadd.s32 @!p0 s1, s19;
	s21 =	sshll.u32 @!p0 s17, $0xB;
	_ =	swait.ge [sflag:s11], $0x18700  }
0x17: {  	s22 =	simm.s32 @!p0 $0x400;
	s21 =	sand.u32 @!p0 $0xFFFC000, s21;
	[sflag:s11] =	ssyncset.done $0x0  }
0x18: {  	s19 =	sadd.s32 @!p0 s21, s19;
	s21 =	simm.s32 @!p0 $0x80;
	[sflag:s11] =	ssyncadd.s32 $0xFFFE7900  }
0x19: {  	[tilespmem:s23], [sflag:$0x2] =	stream.strided.gather @!p0 [hbm4b:s19+s21], $0x4000, s22, s21, $0x38;
	[tilespmem:$0x1E780] =	vst v63  }
0x1a: {  	s19 =	simm.s32 @!p0 $0x2  }
0x1b: {  	_ =	swait.ge @!p0 [sflag:s19], $0x4000  }
0x1c: {  	[sflag:s19] =	ssyncset.done @!p0 $0x0  }
0x1d: {  	[sflag:s19] =	ssyncadd.s32 @!p0 $0xFFFFC000;
	s19 =	simm.s32 $0x0  }
0x1e: {  	v4 =	vld [tilespmem:s19+$0x0];
	_ =	sdelay $0x4  }
0x1f: {  	vm0 =	vgt.s32 v4, $0x0  }
0x20: {  	v5 =	vld [tilespmem:s19+$0x10];
	v4 =	vnsel vm0, $0x0, v4  }
0x21: {  	v4 =	vmin.u32 v4, $0x1869F;
	_ =	sdelay $0x3  }
0x22: {  	vm9 =	vgt.s32 v5, $0x0  }
0x23: {  	v5 =	vnsel vm9, $0x0, v5;
	v4 =	vld.idx.msk [tilespmem:v4+s10+$0x0], $0xffff  }
0x24: {  	v6 =	vld [tilespmem:s19+$0x20];
	v5 =	vmin.u32 v5, $0x1869F;
	_ =	sdelay $0x3  }
0x25: {  	[tilespmem:s19+$0x1C700] =	vst v4  }
0x26: {  	vm10 =	vgt.s32 v6, $0x0;
	v4 =	vld.idx.msk [tilespmem:v5+s10+$0x0], $0xffff  }
0x27: {  	v5 =	vnsel vm10, $0x0, v6;
	v6 =	vld [tilespmem:s19+$0x30]  }
0x28: {  	v5 =	vmin.u32 v5, $0x1869F;
	_ =	sdelay $0x3  }
0x29: {  	[tilespmem:s19+$0x1C710] =	vst v4;
	vm11 =	vgt.s32 v6, $0x0  }
0x2a: {  	v4 =	vld.idx.msk [tilespmem:v5+s10+$0x0], $0xffff;
	v5 =	vnsel vm11, $0x0, v6  }
0x2b: {  	v6 =	vld [tilespmem:s19+$0x40];
	v5 =	vmin.u32 v5, $0x1869F;
	_ =	sdelay $0x3  }
0x2c: {  	[tilespmem:s19+$0x1C720] =	vst v4  }
0x2d: {  	vm12 =	vgt.s32 v6, $0x0;
	v4 =	vld.idx.msk [tilespmem:v5+s10+$0x0], $0xffff  }
0x2e: {  	v5 =	vnsel vm12, $0x0, v6;
	v6 =	vld [tilespmem:s19+$0x50]  }
0x2f: {  	v5 =	vmin.u32 v5, $0x1869F;
	_ =	sdelay $0x3  }
0x30: {  	[tilespmem:s19+$0x1C730] =	vst v4;
	vm13 =	vgt.s32 v6, $0x0  }
0x31: {  	v4 =	vld.idx.msk [tilespmem:v5+s10+$0x0], $0xffff;
	v5 =	vnsel vm13, $0x0, v6  }
0x32: {  	v6 =	vld [tilespmem:s19+$0x60];
	v5 =	vmin.u32 v5, $0x1869F;
	_ =	sdelay $0x3  }
0x33: {  	[tilespmem:s19+$0x1C740] =	vst v4  }
0x34: {  	vm14 =	vgt.s32 v6, $0x0;
	v4 =	vld.idx.msk [tilespmem:v5+s10+$0x0], $0xffff  }
0x35: {  	v5 =	vnsel vm14, $0x0, v6;
	v6 =	vld [tilespmem:s19+$0x70]  }
0x36: {  	v5 =	vmin.u32 v5, $0x1869F;
	_ =	sdelay $0x2  }
0x37: {  	s31 =	sshll.u32 s17, $0xC;
	s20 =	sand.u32 $0xC00, s29  }
0x38: {  	s18 =	sand.u32 $0x7, s18;
	s20 =	sor.u32 s31, s20;
	[tilespmem:s19+$0x1C750] =	vst v4;
	vm15 =	vgt.s32 v6, $0x0  }
0x39: {  	s18 =	sor.u32 s18, s20;
	s20 =	simm.s32 $0x400;
	s21 =	simm.s32 $0x80;
	v4 =	vld.idx.msk [tilespmem:v5+s10+$0x0], $0xffff;
	v5 =	vnsel vm15, $0x0, v6  }
.LBB2_3:
0x3a: {  	p0 =	sne.s32 s20, $0x7E00;
	v6 =	vld [tilespmem:s21+$0x0];
	v5 =	vmin.u32 v5, $0x1869F;
	_ =	sdelay $0x3  }
0x3b: {  	[tilespmem:s19+$0x1C760] =	vst v4  }
0x3c: {  	vm0 =	vgt.s32 v6, $0x0;
	v4 =	vld.idx.msk [tilespmem:v5+s10+$0x0], $0xffff  }
0x3d: {  	v5 =	vnsel vm0, $0x0, v6  }
0x3e: {  	v5 =	vmin.u32 v5, $0x1869F;
	v6 =	vld [tilespmem:s21+$0x10];
	_ =	sdelay $0x3  }
0x3f: {  	[tilespmem:s19+$0x1C770] =	vst v4;
	s19 =	smov.u32 s21  }
0x40: {  	v4 =	vld.idx.msk [tilespmem:v5+s10+$0x0], $0xffff;
	vm0 =	vgt.s32 v6, $0x0  }
0x41: {  	v5 =	vnsel vm0, $0x0, v6  }
0x42: {  	v5 =	vmin.u32 v5, $0x1869F;
	v6 =	vld [tilespmem:s19+$0x20];
	_ =	sdelay $0x3  }
0x43: {  	[tilespmem:s19+$0x1C700] =	vst v4  }
0x44: {  	v4 =	vld.idx.msk [tilespmem:v5+s10+$0x0], $0xffff;
	vm0 =	vgt.s32 v6, $0x0  }
0x45: {  	v5 =	vnsel vm0, $0x0, v6  }
0x46: {  	v5 =	vmin.u32 v5, $0x1869F;
	v6 =	vld [tilespmem:s19+$0x30];
	_ =	sdelay $0x3  }
0x47: {  	[tilespmem:s19+$0x1C710] =	vst v4  }
0x48: {  	v4 =	vld.idx.msk [tilespmem:v5+s10+$0x0], $0xffff;
	vm0 =	vgt.s32 v6, $0x0  }
0x49: {  	v5 =	vnsel vm0, $0x0, v6  }
0x4a: {  	v5 =	vmin.u32 v5, $0x1869F;
	v6 =	vld [tilespmem:s19+$0x40];
	_ =	sdelay $0x3  }
0x4b: {  	[tilespmem:s19+$0x1C720] =	vst v4  }
0x4c: {  	v4 =	vld.idx.msk [tilespmem:v5+s10+$0x0], $0xffff;
	vm0 =	vgt.s32 v6, $0x0  }
0x4d: {  	v5 =	vnsel vm0, $0x0, v6  }
0x4e: {  	v5 =	vmin.u32 v5, $0x1869F;
	v6 =	vld [tilespmem:s19+$0x50];
	_ =	sdelay $0x3  }
0x4f: {  	[tilespmem:s19+$0x1C730] =	vst v4  }
0x50: {  	v4 =	vld.idx.msk [tilespmem:v5+s10+$0x0], $0xffff;
	vm0 =	vgt.s32 v6, $0x0  }
0x51: {  	v5 =	vnsel vm0, $0x0, v6  }
0x52: {  	v5 =	vmin.u32 v5, $0x1869F;
	v6 =	vld [tilespmem:s19+$0x60];
	_ =	sdelay $0x3  }
0x53: {  	[tilespmem:s19+$0x1C740] =	vst v4  }
0x54: {  	v4 =	vld.idx.msk [tilespmem:v5+s10+$0x0], $0xffff;
	vm0 =	vgt.s32 v6, $0x0  }
0x55: {  	v5 =	vnsel vm0, $0x0, v6  }
0x56: {  	v5 =	vmin.u32 v5, $0x1869F;
	v6 =	vld [tilespmem:s19+$0x70];
	_ =	sdelay $0x1  }
.Ltmp0:
0x57: {  	(pc) =	sbr.rel @p0 .LBB2_3-.Ltmp0, $4  }
0x58: {  	_ = 	snop  }
0x59: {  	[tilespmem:s19+$0x1C750] =	vst v4  }
0x5a: {  	v4 =	vld.idx.msk [tilespmem:v5+s10+$0x0], $0xffff;
	vm0 =	vgt.s32 v6, $0x0  }
0x5b: {  	s21 =	sshra.s32 s20, $0x2;
	s20 =	sadd.s32 $0x200, s20;
	v5 =	vnsel vm0, $0x0, v6  }
0x5c: {  	v6 =	vld [tilespmem:s21+$0x0];
	v5 =	vmin.u32 v5, $0x1869F;
	_ =	sdelay $0x3  }
0x5d: {  	[tilespmem:s19+$0x1C760] =	vst v4  }
0x5e: {  	vm0 =	vgt.s32 v6, $0x0;
	v4 =	vld.idx.msk [tilespmem:v5+s10+$0x0], $0xffff  }
0x5f: {  	v5 =	vnsel vm0, $0x0, v6;
	v6 =	vld [tilespmem:s21+$0x10]  }
0x60: {  	v5 =	vmin.u32 v5, $0x1869F;
	_ =	sdelay $0x3  }
0x61: {  	[tilespmem:s19+$0x1C770] =	vst v4;
	vm13 =	vgt.s32 v6, $0x0  }
0x62: {  	v4 =	vld.idx.msk [tilespmem:v5+s10+$0x0], $0xffff;
	v5 =	vnsel vm13, $0x0, v6  }
0x63: {  	v6 =	vld [tilespmem:s21+$0x20];
	v5 =	vmin.u32 v5, $0x1869F;
	_ =	sdelay $0x3  }
0x64: {  	[tilespmem:s21+$0x1C700] =	vst v4  }
0x65: {  	vm14 =	vgt.s32 v6, $0x0;
	v4 =	vld.idx.msk [tilespmem:v5+s10+$0x0], $0xffff  }
0x66: {  	v5 =	vnsel vm14, $0x0, v6;
	v6 =	vld [tilespmem:s21+$0x30]  }
0x67: {  	v5 =	vmin.u32 v5, $0x1869F;
	_ =	sdelay $0x3  }
0x68: {  	[tilespmem:s21+$0x1C710] =	vst v4;
	vm15 =	vgt.s32 v6, $0x0  }
0x69: {  	v4 =	vld.idx.msk [tilespmem:v5+s10+$0x0], $0xffff;
	v5 =	vnsel vm15, $0x0, v6  }
0x6a: {  	v6 =	vld [tilespmem:s21+$0x40];
	v5 =	vmin.u32 v5, $0x1869F;
	_ =	sdelay $0x3  }
0x6b: {  	[tilespmem:s21+$0x1C720] =	vst v4  }
0x6c: {  	vm4 =	vgt.s32 v6, $0x0;
	v4 =	vld.idx.msk [tilespmem:v5+s10+$0x0], $0xffff  }
0x6d: {  	v5 =	vnsel vm4, $0x0, v6;
	v6 =	vld [tilespmem:s21+$0x50]  }
0x6e: {  	v5 =	vmin.u32 v5, $0x1869F;
	_ =	sdelay $0x3  }
0x6f: {  	[tilespmem:s21+$0x1C730] =	vst v4;
	vm5 =	vgt.s32 v6, $0x0  }
0x70: {  	v4 =	vld.idx.msk [tilespmem:v5+s10+$0x0], $0xffff;
	v5 =	vnsel vm5, $0x0, v6  }
0x71: {  	v6 =	vld [tilespmem:s21+$0x60];
	v5 =	vmin.u32 v5, $0x1869F;
	_ =	sdelay $0x3  }
0x72: {  	[tilespmem:s21+$0x1C740] =	vst v4  }
0x73: {  	vm6 =	vgt.s32 v6, $0x0;
	v4 =	vld.idx.msk [tilespmem:v5+s10+$0x0], $0xffff  }
0x74: {  	v5 =	vnsel vm6, $0x0, v6;
	v6 =	vld [tilespmem:s21+$0x70]  }
0x75: {  	v5 =	vmin.u32 v5, $0x1869F;
	_ =	sdelay $0x3  }
0x76: {  	[tilespmem:s21+$0x1C750] =	vst v4;
	vm7 =	vgt.s32 v6, $0x0  }
0x77: {  	v4 =	vld.idx.msk [tilespmem:v5+s10+$0x0], $0xffff;
	v5 =	vnsel vm7, $0x0, v6  }
0x78: {  	v5 =	vmin.u32 v5, $0x1869F;
	_ =	sdelay $0x3  }
0x79: {  	[tilespmem:s21+$0x1C760] =	vst v4  }
0x7a: {  	v4 =	vld.idx.msk [tilespmem:v5+s10+$0x0], $0xffff;
	_ =	sdelay $0x4  }
0x7b: {  	[tilespmem:s21+$0x1C770] =	vst v4;
	v4 =	vor.u32 s18, v0  }
0x7c: {  	[tilespmem:$0x1E700] =	vst v4;
	v4 =	vor.u32 s18, v1  }
0x7d: {  	[tilespmem:$0x1E710] =	vst v4;
	v4 =	vor.u32 s18, v2  }
0x7e: {  	[tilespmem:$0x1E720] =	vst v4;
	v4 =	vor.u32 s18, v3  }
0x7f: {  	[tilespmem:$0x1E730] =	vst v4  }
0x80: {  	[hbm4b:s4+s12] =	stream.indirect.scatter [tilespmem:s14], [sflag:$0x1], $0x80, s13, s12, $0xb8;
	[tilespmem:$0x1E780] =	vst v63  }
0x81: {  	_ =	swait.ge [sflag:s15], $0x2000  }
0x82: {  	[sflag:s15] =	ssyncset.done $0x0  }
0x83: {  	s19 =	simm.s32 $0x0;
	[sflag:s15] =	ssyncadd.s32 $0xFFFFE000  }
0x84: {  	v4 =	vld [tilespmem:s19+$0x2000];
	_ =	sdelay $0x4  }
0x85: {  	vm8 =	vgt.s32 v4, $0x0  }
0x86: {  	v5 =	vld [tilespmem:s19+$0x2010];
	v4 =	vnsel vm8, $0x0, v4  }
0x87: {  	v4 =	vmin.u32 v4, $0x1869F;
	_ =	sdelay $0x3  }
0x88: {  	vm9 =	vgt.s32 v5, $0x0  }
0x89: {  	v5 =	vnsel vm9, $0x0, v5;
	v4 =	vld.idx.msk [tilespmem:v4+s10+$0x0], $0xffff  }
0x8a: {  	v6 =	vld [tilespmem:s19+$0x2020];
	v5 =	vmin.u32 v5, $0x1869F;
	_ =	sdelay $0x3  }
0x8b: {  	[tilespmem:s19+$0x1C700] =	vst v4  }
0x8c: {  	vm10 =	vgt.s32 v6, $0x0;
	v4 =	vld.idx.msk [tilespmem:v5+s10+$0x0], $0xffff  }
0x8d: {  	v5 =	vnsel vm10, $0x0, v6;
	v6 =	vld [tilespmem:s19+$0x2030]  }
0x8e: {  	v5 =	vmin.u32 v5, $0x1869F;
	_ =	sdelay $0x3  }
0x8f: {  	[tilespmem:s19+$0x1C710] =	vst v4;
	vm11 =	vgt.s32 v6, $0x0  }
0x90: {  	v4 =	vld.idx.msk [tilespmem:v5+s10+$0x0], $0xffff;
	v5 =	vnsel vm11, $0x0, v6  }
0x91: {  	v6 =	vld [tilespmem:s19+$0x2040];
	v5 =	vmin.u32 v5, $0x1869F;
	_ =	sdelay $0x3  }
0x92: {  	[tilespmem:s19+$0x1C720] =	vst v4  }
0x93: {  	vm12 =	vgt.s32 v6, $0x0;
	v4 =	vld.idx.msk [tilespmem:v5+s10+$0x0], $0xffff  }
0x94: {  	v5 =	vnsel vm12, $0x0, v6;
	v6 =	vld [tilespmem:s19+$0x2050]  }
0x95: {  	v5 =	vmin.u32 v5, $0x1869F;
	_ =	sdelay $0x3  }
0x96: {  	[tilespmem:s19+$0x1C730] =	vst v4;
	vm13 =	vgt.s32 v6, $0x0  }
0x97: {  	v4 =	vld.idx.msk [tilespmem:v5+s10+$0x0], $0xffff;
	v5 =	vnsel vm13, $0x0, v6  }
0x98: {  	v6 =	vld [tilespmem:s19+$0x2060];
	v5 =	vmin.u32 v5, $0x1869F;
	_ =	sdelay $0x3  }
0x99: {  	[tilespmem:s19+$0x1C740] =	vst v4  }
0x9a: {  	vm14 =	vgt.s32 v6, $0x0;
	v4 =	vld.idx.msk [tilespmem:v5+s10+$0x0], $0xffff  }
0x9b: {  	v5 =	vnsel vm14, $0x0, v6;
	v6 =	vld [tilespmem:s19+$0x2070]  }
0x9c: {  	v5 =	vmin.u32 v5, $0x1869F;
	_ =	sdelay $0x3  }
0x9d: {  	[tilespmem:s19+$0x1C750] =	vst v4;
	vm15 =	vgt.s32 v6, $0x0  }
0x9e: {  	s20 =	simm.s32 $0x400;
	s21 =	simm.s32 $0x80;
	v4 =	vld.idx.msk [tilespmem:v5+s10+$0x0], $0xffff;
	v5 =	vnsel vm15, $0x0, v6  }
.LBB2_5:
0x9f: {  	p0 =	sne.s32 s20, $0x7E00;
	v6 =	vld [tilespmem:s21+$0x2000];
	v5 =	vmin.u32 v5, $0x1869F;
	_ =	sdelay $0x3  }
0xa0: {  	[tilespmem:s19+$0x1C760] =	vst v4  }
0xa1: {  	vm0 =	vgt.s32 v6, $0x0;
	v4 =	vld.idx.msk [tilespmem:v5+s10+$0x0], $0xffff  }
0xa2: {  	v5 =	vnsel vm0, $0x0, v6  }
0xa3: {  	v5 =	vmin.u32 v5, $0x1869F;
	v6 =	vld [tilespmem:s21+$0x2010];
	_ =	sdelay $0x3  }
0xa4: {  	[tilespmem:s19+$0x1C770] =	vst v4;
	s19 =	smov.u32 s21  }
0xa5: {  	v4 =	vld.idx.msk [tilespmem:v5+s10+$0x0], $0xffff;
	vm0 =	vgt.s32 v6, $0x0  }
0xa6: {  	v5 =	vnsel vm0, $0x0, v6  }
0xa7: {  	v5 =	vmin.u32 v5, $0x1869F;
	v6 =	vld [tilespmem:s19+$0x2020];
	_ =	sdelay $0x3  }
0xa8: {  	[tilespmem:s19+$0x1C700] =	vst v4  }
0xa9: {  	v4 =	vld.idx.msk [tilespmem:v5+s10+$0x0], $0xffff;
	vm0 =	vgt.s32 v6, $0x0  }
0xaa: {  	v5 =	vnsel vm0, $0x0, v6  }
0xab: {  	v5 =	vmin.u32 v5, $0x1869F;
	v6 =	vld [tilespmem:s19+$0x2030];
	_ =	sdelay $0x3  }
0xac: {  	[tilespmem:s19+$0x1C710] =	vst v4  }
0xad: {  	v4 =	vld.idx.msk [tilespmem:v5+s10+$0x0], $0xffff;
	vm0 =	vgt.s32 v6, $0x0  }
0xae: {  	v5 =	vnsel vm0, $0x0, v6  }
0xaf: {  	v5 =	vmin.u32 v5, $0x1869F;
	v6 =	vld [tilespmem:s19+$0x2040];
	_ =	sdelay $0x3  }
0xb0: {  	[tilespmem:s19+$0x1C720] =	vst v4  }
0xb1: {  	v4 =	vld.idx.msk [tilespmem:v5+s10+$0x0], $0xffff;
	vm0 =	vgt.s32 v6, $0x0  }
0xb2: {  	v5 =	vnsel vm0, $0x0, v6  }
0xb3: {  	v5 =	vmin.u32 v5, $0x1869F;
	v6 =	vld [tilespmem:s19+$0x2050];
	_ =	sdelay $0x3  }
0xb4: {  	[tilespmem:s19+$0x1C730] =	vst v4  }
0xb5: {  	v4 =	vld.idx.msk [tilespmem:v5+s10+$0x0], $0xffff;
	vm0 =	vgt.s32 v6, $0x0  }
0xb6: {  	v5 =	vnsel vm0, $0x0, v6  }
0xb7: {  	v5 =	vmin.u32 v5, $0x1869F;
	v6 =	vld [tilespmem:s19+$0x2060];
	_ =	sdelay $0x3  }
0xb8: {  	[tilespmem:s19+$0x1C740] =	vst v4  }
0xb9: {  	v4 =	vld.idx.msk [tilespmem:v5+s10+$0x0], $0xffff;
	vm0 =	vgt.s32 v6, $0x0  }
0xba: {  	v5 =	vnsel vm0, $0x0, v6  }
0xbb: {  	v5 =	vmin.u32 v5, $0x1869F;
	v6 =	vld [tilespmem:s19+$0x2070];
	_ =	sdelay $0x1  }
.Ltmp1:
0xbc: {  	(pc) =	sbr.rel @p0 .LBB2_5-.Ltmp1, $4  }
0xbd: {  	_ = 	snop  }
0xbe: {  	[tilespmem:s19+$0x1C750] =	vst v4  }
0xbf: {  	v4 =	vld.idx.msk [tilespmem:v5+s10+$0x0], $0xffff;
	vm0 =	vgt.s32 v6, $0x0  }
0xc0: {  	s21 =	sshra.s32 s20, $0x2;
	s20 =	sadd.s32 $0x200, s20;
	v5 =	vnsel vm0, $0x0, v6  }
0xc1: {  	v6 =	vld [tilespmem:s21+$0x2000];
	v5 =	vmin.u32 v5, $0x1869F;
	_ =	sdelay $0x3  }
0xc2: {  	[tilespmem:s19+$0x1C760] =	vst v4  }
0xc3: {  	vm0 =	vgt.s32 v6, $0x0;
	v4 =	vld.idx.msk [tilespmem:v5+s10+$0x0], $0xffff  }
0xc4: {  	v57 =	vld [tilespmem:s21+$0x2010];
	v5 =	vnsel vm0, $0x0, v6  }
0xc5: {  	v5 =	vmin.u32 v5, $0x1869F;
	_ =	sdelay $0x2  }
0xc6: {  	[tilespmem:s19+$0x1C770] =	vst v4  }
0xc7: {  	vm9 =	vgt.s32 v57, $0x0;
	v58 =	vld [tilespmem:s21+$0x2020]  }
0xc8: {  	v4 =	vld.idx.msk [tilespmem:v5+s10+$0x0], $0xffff;
	v5 =	vnsel vm9, $0x0, v57  }
0xc9: {  	v5 =	vmin.u32 v5, $0x1869F;
	_ =	sdelay $0x3  }
0xca: {  	v59 =	vld [tilespmem:s21+$0x2030];
	vm10 =	vgt.s32 v58, $0x0;
	[tilespmem:s21+$0x1C700] =	vst v4  }
0xcb: {  	v4 =	vld.idx.msk [tilespmem:v5+s10+$0x0], $0xffff;
	v5 =	vnsel vm10, $0x0, v58  }
0xcc: {  	v5 =	vmin.u32 v5, $0x1869F;
	_ =	sdelay $0x3  }
0xcd: {  	v60 =	vld [tilespmem:s21+$0x2040];
	vm11 =	vgt.s32 v59, $0x0;
	[tilespmem:s21+$0x1C710] =	vst v4  }
0xce: {  	v4 =	vld.idx.msk [tilespmem:v5+s10+$0x0], $0xffff;
	v5 =	vnsel vm11, $0x0, v59  }
0xcf: {  	v5 =	vmin.u32 v5, $0x1869F;
	_ =	sdelay $0x3  }
0xd0: {  	v61 =	vld [tilespmem:s21+$0x2050];
	vm12 =	vgt.s32 v60, $0x0;
	[tilespmem:s21+$0x1C720] =	vst v4  }
0xd1: {  	v4 =	vld.idx.msk [tilespmem:v5+s10+$0x0], $0xffff;
	v5 =	vnsel vm12, $0x0, v60  }
0xd2: {  	v5 =	vmin.u32 v5, $0x1869F;
	_ =	sdelay $0x3  }
0xd3: {  	v62 =	vld [tilespmem:s21+$0x2060];
	vm13 =	vgt.s32 v61, $0x0;
	[tilespmem:s21+$0x1C730] =	vst v4  }
0xd4: {  	v4 =	vld.idx.msk [tilespmem:v5+s10+$0x0], $0xffff;
	v5 =	vnsel vm13, $0x0, v61  }
0xd5: {  	v5 =	vmin.u32 v5, $0x1869F;
	_ =	sdelay $0x3  }
0xd6: {  	v63 =	vld [tilespmem:s21+$0x2070];
	vm14 =	vgt.s32 v62, $0x0;
	[tilespmem:s21+$0x1C740] =	vst v4  }
0xd7: {  	v4 =	vld.idx.msk [tilespmem:v5+s10+$0x0], $0xffff;
	v5 =	vnsel vm14, $0x0, v62  }
0xd8: {  	v5 =	vmin.u32 v5, $0x1869F;
	_ =	sdelay $0x3  }
0xd9: {  	vm15 =	vgt.s32 v63, $0x0;
	[tilespmem:s21+$0x1C750] =	vst v4  }
0xda: {  	v4 =	vld.idx.msk [tilespmem:v5+s10+$0x0], $0xffff;
	v5 =	vnsel vm15, $0x0, v63  }
0xdb: {  	v5 =	vmin.u32 v5, $0x1869F;
	_ =	sdelay $0x3  }
0xdc: {  	[tilespmem:s21+$0x1C760] =	vst v4  }
0xdd: {  	v4 =	vld.idx.msk [tilespmem:v5+s10+$0x0], $0xffff;
	_ =	sdelay $0x3  }
0xde: {  	s18 =	sor.u32 $0x200, s18  }
0xdf: {  	[tilespmem:s21+$0x1C770] =	vst v4;
	v4 =	vor.u32 s18, v0  }
0xe0: {  	[tilespmem:$0x1E700] =	vst v4;
	v4 =	vor.u32 s18, v1  }
0xe1: {  	s16 =	sadd.s32 $0x1, s16;
	[tilespmem:$0x1E710] =	vst v4;
	v4 =	vor.u32 s18, v2  }
0xe2: {  	p0 =	sne.s32 s16, $0x1A;
	[tilespmem:$0x1E720] =	vst v4;
	v4 =	vor.u32 s18, v3  }
.Ltmp2:
0xe3: {  	[tilespmem:$0x1E730] =	vst v4;
	(pc) =	sbr.rel @p0 .LBB2_2-.Ltmp2, $4  }
0xe4: {  	[hbm4b:s4+s12] =	stream.indirect.scatter [tilespmem:s14], [sflag:$0x1], $0x80, s13, s12, $0xb8;
	[tilespmem:$0x1E780] =	vst v63  }
0xe5: {  	_ =	swait.ge [sflag:s15], $0x2000  }
0xe6: {  	[sflag:s15] =	ssyncset.done $0x0  }
0xe7: {  	[sflag:s15] =	ssyncadd.s32 $0xFFFFE000  }
0xe8: {  	s5 =	sadd.s32 $0x1, s5  }
0xe9: {  	p0 =	sne.s32 s5, s7  }
.Ltmp3:
0xea: {  	_ = 	snop;
	(pc) =	sbr.rel @p0 .LBB2_1-.Ltmp3, $1  }
0xeb: {  	_ =	sdelay $0x3  }
0xec: {  	_ =	sfence.sel $0x180000  }
0xed: {  	[bflag:$0x0] =	sbarrier.arrive $0xFFFF  }
0xee: {  	p0 =	sne.s32 s2, $0x0;
	_ =	strace $0x90000047  }
0xef: {  	s0 =	sadd.s32 @!p0 $0x100000, s0;
	[bflag:$0x2] =	sbarrier.arrive $0xFFFF  }
0xf0: {  	[sflag:s0] =	ssyncadd.tile.s32 @!p0 $0x1;
	_ =	shalt  }
.Lfunc_end2:
_tile_overlayer_lowered:
.L_overlay_start_2:
0xf1: {  	(tag) =	ssettag $0x2  }
0xf2: {  	s0 =	rddreg [dreg:$0x0];
	s2 =	stileid.u32  }
0xf3: {  	s1 =	rddreg [dreg:$0x1];
	p0 =	sne.s32 s2, $0x0  }
0xf4: {  	s3 =	rddreg [dreg:$0x2];
	[bflag:$0x3] =	sbarrier.arrive $0xFFFF;
	s2 =	simm.s32 @!p0 $0x1C02  }
0xf5: {  	[timem:s3], [sflag:s2] =	dma.local @!p0 [hbm:s0], s1  }
0xf6: {  	s0 =	simm.s32 @!p0 $0x2  }
0xf7: {  	_ =	swait.ge @!p0 [sflag:s0], s1  }
0xf8: {  	s1 =	ssub.s32 @!p0 $0x0, s1;
	[sflag:s0] =	ssyncset.done @!p0 $0x0  }
0xf9: {  	[sflag:s0] =	ssyncadd.s32 @!p0 s1  }
0xfa: {  	[bflag:$0x3] =	sbarrier.arrive $0xFFFF  }
0xfb: {  	_ =	shalt  }

</sc_bundles>
